<compile_context>
chip_gen: v7x
topology: tpu7x:2x2x1
jax: 0.10.2.dev20260603
libtpu: 0.0.44.dev20260713+nightly
codegen_flags: <defaults>
</compile_context>

<pallas_src>
import functools

import jax
import jax.numpy as jnp
from jax import lax
from jax.experimental import pallas as pl
from jax.experimental.pallas import tpu as pltpu
from jax.experimental.pallas import tpu_sc as plsc

VOCAB = 100000
EMBED = 100
BATCH = 1024
CTX = 20

NW = 32
B_PER_W = BATCH // NW
IDX_PER_W = B_PER_W * CTX
GCHUNK = 128
NG = IDX_PER_W // GCHUNK

EMBED_P = 128
COL_OFFS = tuple(range(0, EMBED_P, 16))


def _sc_gather_sum_body(idx_hbm, table_hbm, h_hbm, idx_v, rows_v, acc_v, sem):
    c = lax.axis_index("c")
    s = lax.axis_index("s")
    wid = s * 2 + c
    base = wid * IDX_PER_W

    pltpu.sync_copy(idx_hbm.at[pl.ds(base, IDX_PER_W)], idx_v)

    cps = []
    for k in range(NG):
        cps.append(
            pltpu.async_copy(
                table_hbm.at[idx_v.at[pl.ds(k * GCHUNK, GCHUNK)]],
                rows_v.at[pl.ds(k * GCHUNK, GCHUNK)],
                sem,
            )
        )
    for cp in cps:
        cp.wait()

    def body(i, carry):
        row0 = i * CTX
        for off in COL_OFFS:
            a = rows_v[row0, pl.ds(off, 16)]
            for j in range(1, CTX):
                a = a + rows_v[row0 + j, pl.ds(off, 16)]
            acc_v[i, pl.ds(off, 16)] = a
        return carry

    lax.fori_loop(0, B_PER_W, body, 0)

    pltpu.sync_copy(acc_v, h_hbm.at[pl.ds(wid * B_PER_W, B_PER_W)])


@functools.lru_cache(maxsize=None)
def _sc_gather_sum():
    return pl.kernel(
        _sc_gather_sum_body,
        out_type=jax.ShapeDtypeStruct((BATCH, EMBED_P), jnp.float32),
        mesh=plsc.VectorSubcoreMesh(core_axis_name="c", subcore_axis_name="s"),
        scratch_types=[
            pltpu.VMEM((IDX_PER_W,), jnp.int32),
            pltpu.VMEM((IDX_PER_W, EMBED_P), jnp.float32),
            pltpu.VMEM((B_PER_W, EMBED_P), jnp.float32),
            pltpu.SemaphoreType.DMA,
        ],
    )

PAD_ROWS = 10000


def _pad_body(e_ref, o_ref):
    o_ref[...] = jnp.concatenate(
        [e_ref[...], jnp.zeros((PAD_ROWS, EMBED_P - EMBED), jnp.float32)], axis=1
    )


def _pad_table(embeddings):
    return pl.pallas_call(
        _pad_body,
        grid=(VOCAB // PAD_ROWS,),
        in_specs=[pl.BlockSpec((PAD_ROWS, EMBED), lambda i: (i, 0))],
        out_specs=pl.BlockSpec((PAD_ROWS, EMBED_P), lambda i: (i, 0)),
        out_shape=jax.ShapeDtypeStruct((VOCAB, EMBED_P), jnp.float32),
    )(embeddings)


VB = 2048
NV = -(-VOCAB // VB)


def _logz_body(h_ref, w_ref, b_ref, logz_ref, wt_ref, s_ref):
    v = pl.program_id(0)

    @pl.when(v == 0)
    def _():
        s_ref[...] = jnp.zeros_like(s_ref)

    wt = w_ref[...].astype(jnp.bfloat16).T
    wt_ref[...] = wt
    logits = (
        jnp.dot(h_ref[...].astype(jnp.bfloat16), wt,
                preferred_element_type=jnp.float32)
        + b_ref[...]
    )
    col = v * VB + lax.broadcasted_iota(jnp.int32, (1, VB), 1)
    logits = jnp.where(col < VOCAB, logits, -jnp.inf)

    s_ref[...] = s_ref[...] + jnp.sum(jnp.exp(logits), axis=1, keepdims=True)

    @pl.when(v == NV - 1)
    def _():
        logz_ref[...] = jnp.log(s_ref[...])


BB = 32
NB = BATCH // BB


def _out_body(h_ref, wt_ref, b_ref, logz_ref, out_ref):
    logits = (
        jnp.dot(h_ref[...].astype(jnp.bfloat16), wt_ref[...],
                preferred_element_type=jnp.float32)
        + b_ref[...]
    )
    out_ref[...] = logits - logz_ref[...]


def _tc_logsoftmax(h, linear_w, b2, interpret=False):
    logz, wt16 = pl.pallas_call(
        _logz_body,
        grid=(NV,),
        in_specs=[
            pl.BlockSpec((BATCH, EMBED), lambda v: (0, 0)),
            pl.BlockSpec((VB, EMBED), lambda v: (v, 0)),
            pl.BlockSpec((1, VB), lambda v: (0, v)),
        ],
        out_specs=[
            pl.BlockSpec((BATCH, 1), lambda v: (0, 0)),
            pl.BlockSpec((EMBED, VB), lambda v: (0, v)),
        ],
        out_shape=[
            jax.ShapeDtypeStruct((BATCH, 1), jnp.float32),
            jax.ShapeDtypeStruct((EMBED, VOCAB), jnp.bfloat16),
        ],
        scratch_shapes=[
            pltpu.VMEM((BATCH, 1), jnp.float32),
        ],
        interpret=interpret,
    )(h, linear_w, b2)

    out = pl.pallas_call(
        _out_body,
        grid=(NB,),
        in_specs=[
            pl.BlockSpec((BB, EMBED), lambda i: (i, 0)),
            pl.BlockSpec((EMBED, VOCAB), lambda i: (0, 0)),
            pl.BlockSpec((1, VOCAB), lambda i: (0, 0)),
            pl.BlockSpec((BB, 1), lambda i: (i, 0)),
        ],
        out_specs=pl.BlockSpec((BB, VOCAB), lambda i: (i, 0)),
        out_shape=jax.ShapeDtypeStruct((BATCH, VOCAB), jnp.float32),
        interpret=interpret,
    )(h, wt16, b2, logz)
    return out


@jax.jit
def kernel(x, embeddings, linear_w, linear_b):
    x_flat = x.reshape(-1).astype(jnp.int32)
    emb_p = _pad_table(embeddings)
    h = _sc_gather_sum()(x_flat, emb_p)[:, :EMBED]
    b2 = linear_b.reshape(1, VOCAB)
    return _tc_logsoftmax(h, linear_w, b2)

# --- scband reference (transcript-rebuilt; emitter-appended) ---
"""Pipeline reference for scband-cbow-7997229105605 (READ-ONLY COPY).

The authoritative reference and input builder live on the scoring server;
editing this copy changes nothing except your own understanding.
"""

import jax, jax.numpy as jnp
import numpy as np

VOCAB = 100000
EMBED = 100
BATCH = 1024
CTX = 20

def setup_inputs(seed: int = 0) -> dict:
    key = jax.random.key(seed)
    k1, k2, k3, k4 = jax.random.split(key, 4)
    x = jax.random.randint(k1, (BATCH, CTX), 0, VOCAB, dtype=jnp.int64 if jax.config.jax_enable_x64 else jnp.int32)
    embeddings = jax.random.normal(k2, (VOCAB, EMBED), dtype=jnp.float32)
    # nn.Linear(embedding_dim, vocab_size): weight [vocab, embed], bias [vocab]
    bound = 1.0 / np.sqrt(EMBED)
    linear_w = jax.random.uniform(k3, (VOCAB, EMBED), dtype=jnp.float32, minval=-bound, maxval=bound)
    linear_b = jax.random.uniform(k4, (VOCAB,), dtype=jnp.float32, minval=-bound, maxval=bound)
    return {"x": x, "embeddings": embeddings, "linear_w": linear_w, "linear_b": linear_b}

def reference(x, embeddings, linear_w, linear_b):
    # x: [B, L] int indices
    emb = jnp.take(embeddings, x, axis=0)          # [B, L, D] gather
    h = jnp.sum(emb, axis=1)                        # [B, D]
    logits = h @ linear_w.T + linear_b              # [B, V]
    return jax.nn.log_softmax(logits, axis=1)

if __name__ == "__main__":
    import jax
    _d = setup_inputs()
    print(jax.jit(kernel)(*tuple(_d.values())))

</pallas_src>

<mosaic_0001>
#map = affine_map<(d0, d1) -> (0)>
#map1 = affine_map<(d0, d1) -> (0, 0)>
module attributes {stable_mosaic.version = 14 : i64} {
  func.func @_sc_gather_sum_body(%arg0: i32, %arg1: i32, %arg2: memref<20480xi32, #tpu.memory_space<hbm>>, %arg3: memref<100000x128xf32, #tpu.memory_space<hbm>>, %arg4: memref<1024x128xf32, #tpu.memory_space<hbm>>, %arg5: memref<640xi32, #tpu.memory_space<vmem>>, %arg6: memref<640x128xf32, #tpu.memory_space<vmem>>, %arg7: memref<32x128xf32, #tpu.memory_space<vmem>>, %arg8: memref<!tpu.dma_semaphore, #tpu.memory_space<semaphore_mem>>) attributes {dimension_semantics = [#tpu.dimension_semantics<core_parallel>, #tpu.dimension_semantics<subcore_parallel>], iteration_bounds = array<i64: 2, 16>, scalar_prefetch = 0 : i64, scratch_operands = 4 : i64, tpu.core_type = #tpu.core_type<sc_vector_subcore>, window_params = [{transform_indices = #map}, {transform_indices = #map1}, {transform_indices = #map1}]} {
    %mul3A = arith.constant 2 : i32
    %mul3A_0 = arith.muli %arg1, %mul3A : i32
    %add3A = arith.addi %mul3A_0, %arg0 : i32
    %mul3A_1 = arith.constant 640 : i32
    %mul3A_2 = arith.muli %add3A, %mul3A_1 : i32
    "tpu.region"() ({
      %run_scoped3A = tpu.sem_alloc : memref<!tpu.dma_semaphore, #tpu.memory_space<semaphore_mem>>
      %dma_start3A_88 = tpu.memref_slice %arg2[%mul3A_2] : memref<20480xi32, #tpu.memory_space<hbm>> -> memref<640xi32, #tpu.memory_space<hbm>>
      %dma_start3A_89 = tpu.memref_slice %arg2[%mul3A_2] : memref<20480xi32, #tpu.memory_space<hbm>> -> memref<640xi32, #tpu.memory_space<hbm>>
      tpu.enqueue_dma source(%dma_start3A_89 : memref<640xi32, #tpu.memory_space<hbm>>) target(%arg5 : memref<640xi32, #tpu.memory_space<vmem>>) target_semaphore(%run_scoped3A : memref<!tpu.dma_semaphore, #tpu.memory_space<semaphore_mem>>)
      %dma_wait3A_90 = tpu.memref_slice %arg2[%mul3A_2] : memref<20480xi32, #tpu.memory_space<hbm>> -> memref<640xi32, #tpu.memory_space<hbm>>
      %dma_wait3A_91 = tpu.memref_slice %arg2[%mul3A_2] : memref<20480xi32, #tpu.memory_space<hbm>> -> memref<640xi32, #tpu.memory_space<hbm>>
      tpu.wait_dma2 semaphore(%run_scoped3A : memref<!tpu.dma_semaphore, #tpu.memory_space<semaphore_mem>>) src(%dma_wait3A_91 : memref<640xi32, #tpu.memory_space<hbm>>) dst(%arg5 : memref<640xi32, #tpu.memory_space<vmem>>)
      tpu.yield
    }) : () -> ()
    %dma_start3A = arith.constant 0 : i32
    %dma_start3A_3 = arith.constant 0 : i32
    %dma_start3A_4 = tpu.memref_slice %arg6[%dma_start3A, %dma_start3A_3] : memref<640x128xf32, #tpu.memory_space<vmem>> -> memref<128x128xf32, #tpu.memory_space<vmem>>
    %dma_start3A_5 = arith.constant 0 : i32
    %dma_start3A_6 = tpu.memref_slice %arg5[%dma_start3A_5] : memref<640xi32, #tpu.memory_space<vmem>> -> memref<128xi32, #tpu.memory_space<vmem>>
    %dma_start3A_7 = arith.constant 0 : i32
    %dma_start3A_8 = arith.constant 0 : i32
    %dma_start3A_9 = tpu.memref_slice %arg3[%dma_start3A_7, %dma_start3A_8] : memref<100000x128xf32, #tpu.memory_space<hbm>> -> memref<100000x128xf32, #tpu.memory_space<hbm>>
    tpu.enqueue_indirect_dma source(%dma_start3A_9 : memref<100000x128xf32, #tpu.memory_space<hbm>>) target(%dma_start3A_4 : memref<128x128xf32, #tpu.memory_space<vmem>>) offsets(%dma_start3A_6 : memref<128xi32, #tpu.memory_space<vmem>>) semaphore(%arg8 : memref<!tpu.dma_semaphore, #tpu.memory_space<semaphore_mem>>)
    %dma_start3A_10 = arith.constant 128 : i32
    %dma_start3A_11 = arith.constant 0 : i32
    %dma_start3A_12 = tpu.memref_slice %arg6[%dma_start3A_10, %dma_start3A_11] : memref<640x128xf32, #tpu.memory_space<vmem>> -> memref<128x128xf32, #tpu.memory_space<vmem>>
    %dma_start3A_13 = arith.constant 128 : i32
    %dma_start3A_14 = tpu.memref_slice %arg5[%dma_start3A_13] : memref<640xi32, #tpu.memory_space<vmem>> -> memref<128xi32, #tpu.memory_space<vmem>>
    %dma_start3A_15 = arith.constant 0 : i32
    %dma_start3A_16 = arith.constant 0 : i32
    %dma_start3A_17 = tpu.memref_slice %arg3[%dma_start3A_15, %dma_start3A_16] : memref<100000x128xf32, #tpu.memory_space<hbm>> -> memref<100000x128xf32, #tpu.memory_space<hbm>>
    tpu.enqueue_indirect_dma source(%dma_start3A_17 : memref<100000x128xf32, #tpu.memory_space<hbm>>) target(%dma_start3A_12 : memref<128x128xf32, #tpu.memory_space<vmem>>) offsets(%dma_start3A_14 : memref<128xi32, #tpu.memory_space<vmem>>) semaphore(%arg8 : memref<!tpu.dma_semaphore, #tpu.memory_space<semaphore_mem>>)
    %dma_start3A_18 = arith.constant 256 : i32
    %dma_start3A_19 = arith.constant 0 : i32
    %dma_start3A_20 = tpu.memref_slice %arg6[%dma_start3A_18, %dma_start3A_19] : memref<640x128xf32, #tpu.memory_space<vmem>> -> memref<128x128xf32, #tpu.memory_space<vmem>>
    %dma_start3A_21 = arith.constant 256 : i32
    %dma_start3A_22 = tpu.memref_slice %arg5[%dma_start3A_21] : memref<640xi32, #tpu.memory_space<vmem>> -> memref<128xi32, #tpu.memory_space<vmem>>
    %dma_start3A_23 = arith.constant 0 : i32
    %dma_start3A_24 = arith.constant 0 : i32
    %dma_start3A_25 = tpu.memref_slice %arg3[%dma_start3A_23, %dma_start3A_24] : memref<100000x128xf32, #tpu.memory_space<hbm>> -> memref<100000x128xf32, #tpu.memory_space<hbm>>
    tpu.enqueue_indirect_dma source(%dma_start3A_25 : memref<100000x128xf32, #tpu.memory_space<hbm>>) target(%dma_start3A_20 : memref<128x128xf32, #tpu.memory_space<vmem>>) offsets(%dma_start3A_22 : memref<128xi32, #tpu.memory_space<vmem>>) semaphore(%arg8 : memref<!tpu.dma_semaphore, #tpu.memory_space<semaphore_mem>>)
    %dma_start3A_26 = arith.constant 384 : i32
    %dma_start3A_27 = arith.constant 0 : i32
    %dma_start3A_28 = tpu.memref_slice %arg6[%dma_start3A_26, %dma_start3A_27] : memref<640x128xf32, #tpu.memory_space<vmem>> -> memref<128x128xf32, #tpu.memory_space<vmem>>
    %dma_start3A_29 = arith.constant 384 : i32
    %dma_start3A_30 = tpu.memref_slice %arg5[%dma_start3A_29] : memref<640xi32, #tpu.memory_space<vmem>> -> memref<128xi32, #tpu.memory_space<vmem>>
    %dma_start3A_31 = arith.constant 0 : i32
    %dma_start3A_32 = arith.constant 0 : i32
    %dma_start3A_33 = tpu.memref_slice %arg3[%dma_start3A_31, %dma_start3A_32] : memref<100000x128xf32, #tpu.memory_space<hbm>> -> memref<100000x128xf32, #tpu.memory_space<hbm>>
    tpu.enqueue_indirect_dma source(%dma_start3A_33 : memref<100000x128xf32, #tpu.memory_space<hbm>>) target(%dma_start3A_28 : memref<128x128xf32, #tpu.memory_space<vmem>>) offsets(%dma_start3A_30 : memref<128xi32, #tpu.memory_space<vmem>>) semaphore(%arg8 : memref<!tpu.dma_semaphore, #tpu.memory_space<semaphore_mem>>)
    %dma_start3A_34 = arith.constant 512 : i32
    %dma_start3A_35 = arith.constant 0 : i32
    %dma_start3A_36 = tpu.memref_slice %arg6[%dma_start3A_34, %dma_start3A_35] : memref<640x128xf32, #tpu.memory_space<vmem>> -> memref<128x128xf32, #tpu.memory_space<vmem>>
    %dma_start3A_37 = arith.constant 512 : i32
    %dma_start3A_38 = tpu.memref_slice %arg5[%dma_start3A_37] : memref<640xi32, #tpu.memory_space<vmem>> -> memref<128xi32, #tpu.memory_space<vmem>>
    %dma_start3A_39 = arith.constant 0 : i32
    %dma_start3A_40 = arith.constant 0 : i32
    %dma_start3A_41 = tpu.memref_slice %arg3[%dma_start3A_39, %dma_start3A_40] : memref<100000x128xf32, #tpu.memory_space<hbm>> -> memref<100000x128xf32, #tpu.memory_space<hbm>>
    tpu.enqueue_indirect_dma source(%dma_start3A_41 : memref<100000x128xf32, #tpu.memory_space<hbm>>) target(%dma_start3A_36 : memref<128x128xf32, #tpu.memory_space<vmem>>) offsets(%dma_start3A_38 : memref<128xi32, #tpu.memory_space<vmem>>) semaphore(%arg8 : memref<!tpu.dma_semaphore, #tpu.memory_space<semaphore_mem>>)
    %dma_wait3A = arith.constant 0 : i32
    %dma_wait3A_42 = arith.constant 0 : i32
    %dma_wait3A_43 = tpu.memref_slice %arg6[%dma_wait3A, %dma_wait3A_42] : memref<640x128xf32, #tpu.memory_space<vmem>> -> memref<128x128xf32, #tpu.memory_space<vmem>>
    %dma_wait3A_44 = arith.constant 0 : i32
    %dma_wait3A_45 = tpu.memref_slice %arg5[%dma_wait3A_44] : memref<640xi32, #tpu.memory_space<vmem>> -> memref<128xi32, #tpu.memory_space<vmem>>
    %dma_wait3A_46 = arith.constant 0 : i32
    %dma_wait3A_47 = arith.constant 0 : i32
    %dma_wait3A_48 = tpu.memref_slice %arg3[%dma_wait3A_46, %dma_wait3A_47] : memref<100000x128xf32, #tpu.memory_space<hbm>> -> memref<100000x128xf32, #tpu.memory_space<hbm>>
    tpu.wait_indirect_dma semaphore(%arg8 : memref<!tpu.dma_semaphore, #tpu.memory_space<semaphore_mem>>) src(%dma_wait3A_48 : memref<100000x128xf32, #tpu.memory_space<hbm>>) dst(%dma_wait3A_43 : memref<128x128xf32, #tpu.memory_space<vmem>>)
    %dma_wait3A_49 = arith.constant 128 : i32
    %dma_wait3A_50 = arith.constant 0 : i32
    %dma_wait3A_51 = tpu.memref_slice %arg6[%dma_wait3A_49, %dma_wait3A_50] : memref<640x128xf32, #tpu.memory_space<vmem>> -> memref<128x128xf32, #tpu.memory_space<vmem>>
    %dma_wait3A_52 = arith.constant 128 : i32
    %dma_wait3A_53 = tpu.memref_slice %arg5[%dma_wait3A_52] : memref<640xi32, #tpu.memory_space<vmem>> -> memref<128xi32, #tpu.memory_space<vmem>>
    %dma_wait3A_54 = arith.constant 0 : i32
    %dma_wait3A_55 = arith.constant 0 : i32
    %dma_wait3A_56 = tpu.memref_slice %arg3[%dma_wait3A_54, %dma_wait3A_55] : memref<100000x128xf32, #tpu.memory_space<hbm>> -> memref<100000x128xf32, #tpu.memory_space<hbm>>
    tpu.wait_indirect_dma semaphore(%arg8 : memref<!tpu.dma_semaphore, #tpu.memory_space<semaphore_mem>>) src(%dma_wait3A_56 : memref<100000x128xf32, #tpu.memory_space<hbm>>) dst(%dma_wait3A_51 : memref<128x128xf32, #tpu.memory_space<vmem>>)
    %dma_wait3A_57 = arith.constant 256 : i32
    %dma_wait3A_58 = arith.constant 0 : i32
    %dma_wait3A_59 = tpu.memref_slice %arg6[%dma_wait3A_57, %dma_wait3A_58] : memref<640x128xf32, #tpu.memory_space<vmem>> -> memref<128x128xf32, #tpu.memory_space<vmem>>
    %dma_wait3A_60 = arith.constant 256 : i32
    %dma_wait3A_61 = tpu.memref_slice %arg5[%dma_wait3A_60] : memref<640xi32, #tpu.memory_space<vmem>> -> memref<128xi32, #tpu.memory_space<vmem>>
    %dma_wait3A_62 = arith.constant 0 : i32
    %dma_wait3A_63 = arith.constant 0 : i32
    %dma_wait3A_64 = tpu.memref_slice %arg3[%dma_wait3A_62, %dma_wait3A_63] : memref<100000x128xf32, #tpu.memory_space<hbm>> -> memref<100000x128xf32, #tpu.memory_space<hbm>>
    tpu.wait_indirect_dma semaphore(%arg8 : memref<!tpu.dma_semaphore, #tpu.memory_space<semaphore_mem>>) src(%dma_wait3A_64 : memref<100000x128xf32, #tpu.memory_space<hbm>>) dst(%dma_wait3A_59 : memref<128x128xf32, #tpu.memory_space<vmem>>)
    %dma_wait3A_65 = arith.constant 384 : i32
    %dma_wait3A_66 = arith.constant 0 : i32
    %dma_wait3A_67 = tpu.memref_slice %arg6[%dma_wait3A_65, %dma_wait3A_66] : memref<640x128xf32, #tpu.memory_space<vmem>> -> memref<128x128xf32, #tpu.memory_space<vmem>>
    %dma_wait3A_68 = arith.constant 384 : i32
    %dma_wait3A_69 = tpu.memref_slice %arg5[%dma_wait3A_68] : memref<640xi32, #tpu.memory_space<vmem>> -> memref<128xi32, #tpu.memory_space<vmem>>
    %dma_wait3A_70 = arith.constant 0 : i32
    %dma_wait3A_71 = arith.constant 0 : i32
    %dma_wait3A_72 = tpu.memref_slice %arg3[%dma_wait3A_70, %dma_wait3A_71] : memref<100000x128xf32, #tpu.memory_space<hbm>> -> memref<100000x128xf32, #tpu.memory_space<hbm>>
    tpu.wait_indirect_dma semaphore(%arg8 : memref<!tpu.dma_semaphore, #tpu.memory_space<semaphore_mem>>) src(%dma_wait3A_72 : memref<100000x128xf32, #tpu.memory_space<hbm>>) dst(%dma_wait3A_67 : memref<128x128xf32, #tpu.memory_space<vmem>>)
    %dma_wait3A_73 = arith.constant 512 : i32
    %dma_wait3A_74 = arith.constant 0 : i32
    %dma_wait3A_75 = tpu.memref_slice %arg6[%dma_wait3A_73, %dma_wait3A_74] : memref<640x128xf32, #tpu.memory_space<vmem>> -> memref<128x128xf32, #tpu.memory_space<vmem>>
    %dma_wait3A_76 = arith.constant 512 : i32
    %dma_wait3A_77 = tpu.memref_slice %arg5[%dma_wait3A_76] : memref<640xi32, #tpu.memory_space<vmem>> -> memref<128xi32, #tpu.memory_space<vmem>>
    %dma_wait3A_78 = arith.constant 0 : i32
    %dma_wait3A_79 = arith.constant 0 : i32
    %dma_wait3A_80 = tpu.memref_slice %arg3[%dma_wait3A_78, %dma_wait3A_79] : memref<100000x128xf32, #tpu.memory_space<hbm>> -> memref<100000x128xf32, #tpu.memory_space<hbm>>
    tpu.wait_indirect_dma semaphore(%arg8 : memref<!tpu.dma_semaphore, #tpu.memory_space<semaphore_mem>>) src(%dma_wait3A_80 : memref<100000x128xf32, #tpu.memory_space<hbm>>) dst(%dma_wait3A_75 : memref<128x128xf32, #tpu.memory_space<vmem>>)
    %scan3A = arith.constant 0 : i32
    %scan3A_81 = arith.constant 0 : i32
    %scan3A_82 = arith.constant 32 : i32
    %scan3A_83 = arith.addi %scan3A_81, %scan3A_82 : i32
    %scan3A_84 = arith.constant 1 : i32
    scf.for %scan3A_88 = %scan3A_81 to %scan3A_83 step %scan3A_84  : i32 {
      %mul3A_89 = arith.constant 20 : i32
      %mul3A_90 = arith.muli %scan3A_88, %mul3A_89 : i32
      %get3A = arith.index_cast %mul3A_90 : i32 to index
      %get3A_91 = arith.constant 0 : index
      %get3A_92 = tpu.vector_load %arg6[%get3A, %get3A_91] {strides = array<i32>} : memref<640x128xf32, #tpu.memory_space<vmem>>, vector<1x16xf32>,
      %get3A_93 = vector.shape_cast %get3A_92 : vector<1x16xf32> to vector<16xf32>
      %add3A_94 = arith.constant 1 : i32
      %add3A_95 = arith.addi %mul3A_90, %add3A_94 : i32
      %get3A_96 = arith.index_cast %add3A_95 : i32 to index
      %get3A_97 = arith.constant 0 : index
      %get3A_98 = tpu.vector_load %arg6[%get3A_96, %get3A_97] {strides = array<i32>} : memref<640x128xf32, #tpu.memory_space<vmem>>, vector<1x16xf32>,
      %get3A_99 = vector.shape_cast %get3A_98 : vector<1x16xf32> to vector<16xf32>
      %add3A_100 = arith.addf %get3A_93, %get3A_99 : vector<16xf32>
      %add3A_101 = arith.constant 2 : i32
      %add3A_102 = arith.addi %mul3A_90, %add3A_101 : i32
      %get3A_103 = arith.index_cast %add3A_102 : i32 to index
      %get3A_104 = arith.constant 0 : index
      %get3A_105 = tpu.vector_load %arg6[%get3A_103, %get3A_104] {strides = array<i32>} : memref<640x128xf32, #tpu.memory_space<vmem>>, vector<1x16xf32>,
      %get3A_106 = vector.shape_cast %get3A_105 : vector<1x16xf32> to vector<16xf32>
      %add3A_107 = arith.addf %add3A_100, %get3A_106 : vector<16xf32>
      %add3A_108 = arith.constant 3 : i32
      %add3A_109 = arith.addi %mul3A_90, %add3A_108 : i32
      %get3A_110 = arith.index_cast %add3A_109 : i32 to index
      %get3A_111 = arith.constant 0 : index
      %get3A_112 = tpu.vector_load %arg6[%get3A_110, %get3A_111] {strides = array<i32>} : memref<640x128xf32, #tpu.memory_space<vmem>>, vector<1x16xf32>,
      %get3A_113 = vector.shape_cast %get3A_112 : vector<1x16xf32> to vector<16xf32>
      %add3A_114 = arith.addf %add3A_107, %get3A_113 : vector<16xf32>
      %add3A_115 = arith.constant 4 : i32
      %add3A_116 = arith.addi %mul3A_90, %add3A_115 : i32
      %get3A_117 = arith.index_cast %add3A_116 : i32 to index
      %get3A_118 = arith.constant 0 : index
      %get3A_119 = tpu.vector_load %arg6[%get3A_117, %get3A_118] {strides = array<i32>} : memref<640x128xf32, #tpu.memory_space<vmem>>, vector<1x16xf32>,
      %get3A_120 = vector.shape_cast %get3A_119 : vector<1x16xf32> to vector<16xf32>
      %add3A_121 = arith.addf %add3A_114, %get3A_120 : vector<16xf32>
      %add3A_122 = arith.constant 5 : i32
      %add3A_123 = arith.addi %mul3A_90, %add3A_122 : i32
      %get3A_124 = arith.index_cast %add3A_123 : i32 to index
      %get3A_125 = arith.constant 0 : index
      %get3A_126 = tpu.vector_load %arg6[%get3A_124, %get3A_125] {strides = array<i32>} : memref<640x128xf32, #tpu.memory_space<vmem>>, vector<1x16xf32>,
      %get3A_127 = vector.shape_cast %get3A_126 : vector<1x16xf32> to vector<16xf32>
      %add3A_128 = arith.addf %add3A_121, %get3A_127 : vector<16xf32>
      %add3A_129 = arith.constant 6 : i32
      %add3A_130 = arith.addi %mul3A_90, %add3A_129 : i32
      %get3A_131 = arith.index_cast %add3A_130 : i32 to index
      %get3A_132 = arith.constant 0 : index
      %get3A_133 = tpu.vector_load %arg6[%get3A_131, %get3A_132] {strides = array<i32>} : memref<640x128xf32, #tpu.memory_space<vmem>>, vector<1x16xf32>,
      %get3A_134 = vector.shape_cast %get3A_133 : vector<1x16xf32> to vector<16xf32>
      %add3A_135 = arith.addf %add3A_128, %get3A_134 : vector<16xf32>
      %add3A_136 = arith.constant 7 : i32
      %add3A_137 = arith.addi %mul3A_90, %add3A_136 : i32
      %get3A_138 = arith.index_cast %add3A_137 : i32 to index
      %get3A_139 = arith.constant 0 : index
      %get3A_140 = tpu.vector_load %arg6[%get3A_138, %get3A_139] {strides = array<i32>} : memref<640x128xf32, #tpu.memory_space<vmem>>, vector<1x16xf32>,
      %get3A_141 = vector.shape_cast %get3A_140 : vector<1x16xf32> to vector<16xf32>
      %add3A_142 = arith.addf %add3A_135, %get3A_141 : vector<16xf32>
      %add3A_143 = arith.constant 8 : i32
      %add3A_144 = arith.addi %mul3A_90, %add3A_143 : i32
      %get3A_145 = arith.index_cast %add3A_144 : i32 to index
      %get3A_146 = arith.constant 0 : index
      %get3A_147 = tpu.vector_load %arg6[%get3A_145, %get3A_146] {strides = array<i32>} : memref<640x128xf32, #tpu.memory_space<vmem>>, vector<1x16xf32>,
      %get3A_148 = vector.shape_cast %get3A_147 : vector<1x16xf32> to vector<16xf32>
      %add3A_149 = arith.addf %add3A_142, %get3A_148 : vector<16xf32>
      %add3A_150 = arith.constant 9 : i32
      %add3A_151 = arith.addi %mul3A_90, %add3A_150 : i32
      %get3A_152 = arith.index_cast %add3A_151 : i32 to index
      %get3A_153 = arith.constant 0 : index
      %get3A_154 = tpu.vector_load %arg6[%get3A_152, %get3A_153] {strides = array<i32>} : memref<640x128xf32, #tpu.memory_space<vmem>>, vector<1x16xf32>,
      %get3A_155 = vector.shape_cast %get3A_154 : vector<1x16xf32> to vector<16xf32>
      %add3A_156 = arith.addf %add3A_149, %get3A_155 : vector<16xf32>
      %add3A_157 = arith.constant 10 : i32
      %add3A_158 = arith.addi %mul3A_90, %add3A_157 : i32
      %get3A_159 = arith.index_cast %add3A_158 : i32 to index
      %get3A_160 = arith.constant 0 : index
      %get3A_161 = tpu.vector_load %arg6[%get3A_159, %get3A_160] {strides = array<i32>} : memref<640x128xf32, #tpu.memory_space<vmem>>, vector<1x16xf32>,
      %get3A_162 = vector.shape_cast %get3A_161 : vector<1x16xf32> to vector<16xf32>
      %add3A_163 = arith.addf %add3A_156, %get3A_162 : vector<16xf32>
      %add3A_164 = arith.constant 11 : i32
      %add3A_165 = arith.addi %mul3A_90, %add3A_164 : i32
      %get3A_166 = arith.index_cast %add3A_165 : i32 to index
      %get3A_167 = arith.constant 0 : index
      %get3A_168 = tpu.vector_load %arg6[%get3A_166, %get3A_167] {strides = array<i32>} : memref<640x128xf32, #tpu.memory_space<vmem>>, vector<1x16xf32>,
      %get3A_169 = vector.shape_cast %get3A_168 : vector<1x16xf32> to vector<16xf32>
      %add3A_170 = arith.addf %add3A_163, %get3A_169 : vector<16xf32>
      %add3A_171 = arith.constant 12 : i32
      %add3A_172 = arith.addi %mul3A_90, %add3A_171 : i32
      %get3A_173 = arith.index_cast %add3A_172 : i32 to index
      %get3A_174 = arith.constant 0 : index
      %get3A_175 = tpu.vector_load %arg6[%get3A_173, %get3A_174] {strides = array<i32>} : memref<640x128xf32, #tpu.memory_space<vmem>>, vector<1x16xf32>,
      %get3A_176 = vector.shape_cast %get3A_175 : vector<1x16xf32> to vector<16xf32>
      %add3A_177 = arith.addf %add3A_170, %get3A_176 : vector<16xf32>
      %add3A_178 = arith.constant 13 : i32
      %add3A_179 = arith.addi %mul3A_90, %add3A_178 : i32
      %get3A_180 = arith.index_cast %add3A_179 : i32 to index
      %get3A_181 = arith.constant 0 : index
      %get3A_182 = tpu.vector_load %arg6[%get3A_180, %get3A_181] {strides = array<i32>} : memref<640x128xf32, #tpu.memory_space<vmem>>, vector<1x16xf32>,
      %get3A_183 = vector.shape_cast %get3A_182 : vector<1x16xf32> to vector<16xf32>
      %add3A_184 = arith.addf %add3A_177, %get3A_183 : vector<16xf32>
      %add3A_185 = arith.constant 14 : i32
      %add3A_186 = arith.addi %mul3A_90, %add3A_185 : i32
      %get3A_187 = arith.index_cast %add3A_186 : i32 to index
      %get3A_188 = arith.constant 0 : index
      %get3A_189 = tpu.vector_load %arg6[%get3A_187, %get3A_188] {strides = array<i32>} : memref<640x128xf32, #tpu.memory_space<vmem>>, vector<1x16xf32>,
      %get3A_190 = vector.shape_cast %get3A_189 : vector<1x16xf32> to vector<16xf32>
      %add3A_191 = arith.addf %add3A_184, %get3A_190 : vector<16xf32>
      %add3A_192 = arith.constant 15 : i32
      %add3A_193 = arith.addi %mul3A_90, %add3A_192 : i32
      %get3A_194 = arith.index_cast %add3A_193 : i32 to index
      %get3A_195 = arith.constant 0 : index
      %get3A_196 = tpu.vector_load %arg6[%get3A_194, %get3A_195] {strides = array<i32>} : memref<640x128xf32, #tpu.memory_space<vmem>>, vector<1x16xf32>,
      %get3A_197 = vector.shape_cast %get3A_196 : vector<1x16xf32> to vector<16xf32>
      %add3A_198 = arith.addf %add3A_191, %get3A_197 : vector<16xf32>
      %add3A_199 = arith.constant 16 : i32
      %add3A_200 = arith.addi %mul3A_90, %add3A_199 : i32
      %get3A_201 = arith.index_cast %add3A_200 : i32 to index
      %get3A_202 = arith.constant 0 : index
      %get3A_203 = tpu.vector_load %arg6[%get3A_201, %get3A_202] {strides = array<i32>} : memref<640x128xf32, #tpu.memory_space<vmem>>, vector<1x16xf32>,
      %get3A_204 = vector.shape_cast %get3A_203 : vector<1x16xf32> to vector<16xf32>
      %add3A_205 = arith.addf %add3A_198, %get3A_204 : vector<16xf32>
      %add3A_206 = arith.constant 17 : i32
      %add3A_207 = arith.addi %mul3A_90, %add3A_206 : i32
      %get3A_208 = arith.index_cast %add3A_207 : i32 to index
      %get3A_209 = arith.constant 0 : index
      %get3A_210 = tpu.vector_load %arg6[%get3A_208, %get3A_209] {strides = array<i32>} : memref<640x128xf32, #tpu.memory_space<vmem>>, vector<1x16xf32>,
      %get3A_211 = vector.shape_cast %get3A_210 : vector<1x16xf32> to vector<16xf32>
      %add3A_212 = arith.addf %add3A_205, %get3A_211 : vector<16xf32>
      %add3A_213 = arith.constant 18 : i32
      %add3A_214 = arith.addi %mul3A_90, %add3A_213 : i32
      %get3A_215 = arith.index_cast %add3A_214 : i32 to index
      %get3A_216 = arith.constant 0 : index
      %get3A_217 = tpu.vector_load %arg6[%get3A_215, %get3A_216] {strides = array<i32>} : memref<640x128xf32, #tpu.memory_space<vmem>>, vector<1x16xf32>,
      %get3A_218 = vector.shape_cast %get3A_217 : vector<1x16xf32> to vector<16xf32>
      %add3A_219 = arith.addf %add3A_212, %get3A_218 : vector<16xf32>
      %add3A_220 = arith.constant 19 : i32
      %add3A_221 = arith.addi %mul3A_90, %add3A_220 : i32
      %get3A_222 = arith.index_cast %add3A_221 : i32 to index
      %get3A_223 = arith.constant 0 : index
      %get3A_224 = tpu.vector_load %arg6[%get3A_222, %get3A_223] {strides = array<i32>} : memref<640x128xf32, #tpu.memory_space<vmem>>, vector<1x16xf32>,
      %get3A_225 = vector.shape_cast %get3A_224 : vector<1x16xf32> to vector<16xf32>
      %add3A_226 = arith.addf %add3A_219, %get3A_225 : vector<16xf32>
      %swap3A = arith.index_cast %scan3A_88 : i32 to index
      %swap3A_227 = arith.constant 0 : index
      %swap3A_228 = tpu.vector_load %arg7[%swap3A, %swap3A_227] {strides = array<i32>} : memref<32x128xf32, #tpu.memory_space<vmem>>, vector<1x16xf32>,
      %swap3A_229 = vector.shape_cast %swap3A_228 : vector<1x16xf32> to vector<16xf32>
      %swap3A_230 = vector.shape_cast %add3A_226 : vector<16xf32> to vector<1x16xf32>
      tpu.vector_store %arg7[%swap3A, %swap3A_227], %swap3A_230 {strides = array<i32>} : memref<32x128xf32, #tpu.memory_space<vmem>>, vector<1x16xf32>,
      %get3A_231 = arith.index_cast %mul3A_90 : i32 to index
      %get3A_232 = arith.constant 16 : index
      %get3A_233 = tpu.vector_load %arg6[%get3A_231, %get3A_232] {strides = array<i32>} : memref<640x128xf32, #tpu.memory_space<vmem>>, vector<1x16xf32>,
      %get3A_234 = vector.shape_cast %get3A_233 : vector<1x16xf32> to vector<16xf32>
      %add3A_235 = arith.constant 1 : i32
      %add3A_236 = arith.addi %mul3A_90, %add3A_235 : i32
      %get3A_237 = arith.index_cast %add3A_236 : i32 to index
      %get3A_238 = arith.constant 16 : index
      %get3A_239 = tpu.vector_load %arg6[%get3A_237, %get3A_238] {strides = array<i32>} : memref<640x128xf32, #tpu.memory_space<vmem>>, vector<1x16xf32>,
      %get3A_240 = vector.shape_cast %get3A_239 : vector<1x16xf32> to vector<16xf32>
      %add3A_241 = arith.addf %get3A_234, %get3A_240 : vector<16xf32>
      %add3A_242 = arith.constant 2 : i32
      %add3A_243 = arith.addi %mul3A_90, %add3A_242 : i32
      %get3A_244 = arith.index_cast %add3A_243 : i32 to index
      %get3A_245 = arith.constant 16 : index
      %get3A_246 = tpu.vector_load %arg6[%get3A_244, %get3A_245] {strides = array<i32>} : memref<640x128xf32, #tpu.memory_space<vmem>>, vector<1x16xf32>,
      %get3A_247 = vector.shape_cast %get3A_246 : vector<1x16xf32> to vector<16xf32>
      %add3A_248 = arith.addf %add3A_241, %get3A_247 : vector<16xf32>
      %add3A_249 = arith.constant 3 : i32
      %add3A_250 = arith.addi %mul3A_90, %add3A_249 : i32
      %get3A_251 = arith.index_cast %add3A_250 : i32 to index
      %get3A_252 = arith.constant 16 : index
      %get3A_253 = tpu.vector_load %arg6[%get3A_251, %get3A_252] {strides = array<i32>} : memref<640x128xf32, #tpu.memory_space<vmem>>, vector<1x16xf32>,
      %get3A_254 = vector.shape_cast %get3A_253 : vector<1x16xf32> to vector<16xf32>
      %add3A_255 = arith.addf %add3A_248, %get3A_254 : vector<16xf32>
      %add3A_256 = arith.constant 4 : i32
      %add3A_257 = arith.addi %mul3A_90, %add3A_256 : i32
      %get3A_258 = arith.index_cast %add3A_257 : i32 to index
      %get3A_259 = arith.constant 16 : index
      %get3A_260 = tpu.vector_load %arg6[%get3A_258, %get3A_259] {strides = array<i32>} : memref<640x128xf32, #tpu.memory_space<vmem>>, vector<1x16xf32>,
      %get3A_261 = vector.shape_cast %get3A_260 : vector<1x16xf32> to vector<16xf32>
      %add3A_262 = arith.addf %add3A_255, %get3A_261 : vector<16xf32>
      %add3A_263 = arith.constant 5 : i32
      %add3A_264 = arith.addi %mul3A_90, %add3A_263 : i32
      %get3A_265 = arith.index_cast %add3A_264 : i32 to index
      %get3A_266 = arith.constant 16 : index
      %get3A_267 = tpu.vector_load %arg6[%get3A_265, %get3A_266] {strides = array<i32>} : memref<640x128xf32, #tpu.memory_space<vmem>>, vector<1x16xf32>,
      %get3A_268 = vector.shape_cast %get3A_267 : vector<1x16xf32> to vector<16xf32>
      %add3A_269 = arith.addf %add3A_262, %get3A_268 : vector<16xf32>
      %add3A_270 = arith.constant 6 : i32
      %add3A_271 = arith.addi %mul3A_90, %add3A_270 : i32
      %get3A_272 = arith.index_cast %add3A_271 : i32 to index
      %get3A_273 = arith.constant 16 : index
      %get3A_274 = tpu.vector_load %arg6[%get3A_272, %get3A_273] {strides = array<i32>} : memref<640x128xf32, #tpu.memory_space<vmem>>, vector<1x16xf32>,
      %get3A_275 = vector.shape_cast %get3A_274 : vector<1x16xf32> to vector<16xf32>
      %add3A_276 = arith.addf %add3A_269, %get3A_275 : vector<16xf32>
      %add3A_277 = arith.constant 7 : i32
      %add3A_278 = arith.addi %mul3A_90, %add3A_277 : i32
      %get3A_279 = arith.index_cast %add3A_278 : i32 to index
      %get3A_280 = arith.constant 16 : index
      %get3A_281 = tpu.vector_load %arg6[%get3A_279, %get3A_280] {strides = array<i32>} : memref<640x128xf32, #tpu.memory_space<vmem>>, vector<1x16xf32>,
      %get3A_282 = vector.shape_cast %get3A_281 : vector<1x16xf32> to vector<16xf32>
      %add3A_283 = arith.addf %add3A_276, %get3A_282 : vector<16xf32>
      %add3A_284 = arith.constant 8 : i32
      %add3A_285 = arith.addi %mul3A_90, %add3A_284 : i32
      %get3A_286 = arith.index_cast %add3A_285 : i32 to index
      %get3A_287 = arith.constant 16 : index
      %get3A_288 = tpu.vector_load %arg6[%get3A_286, %get3A_287] {strides = array<i32>} : memref<640x128xf32, #tpu.memory_space<vmem>>, vector<1x16xf32>,
      %get3A_289 = vector.shape_cast %get3A_288 : vector<1x16xf32> to vector<16xf32>
      %add3A_290 = arith.addf %add3A_283, %get3A_289 : vector<16xf32>
      %add3A_291 = arith.constant 9 : i32
      %add3A_292 = arith.addi %mul3A_90, %add3A_291 : i32
      %get3A_293 = arith.index_cast %add3A_292 : i32 to index
      %get3A_294 = arith.constant 16 : index
      %get3A_295 = tpu.vector_load %arg6[%get3A_293, %get3A_294] {strides = array<i32>} : memref<640x128xf32, #tpu.memory_space<vmem>>, vector<1x16xf32>,
      %get3A_296 = vector.shape_cast %get3A_295 : vector<1x16xf32> to vector<16xf32>
      %add3A_297 = arith.addf %add3A_290, %get3A_296 : vector<16xf32>
      %add3A_298 = arith.constant 10 : i32
      %add3A_299 = arith.addi %mul3A_90, %add3A_298 : i32
      %get3A_300 = arith.index_cast %add3A_299 : i32 to index
      %get3A_301 = arith.constant 16 : index
      %get3A_302 = tpu.vector_load %arg6[%get3A_300, %get3A_301] {strides = array<i32>} : memref<640x128xf32, #tpu.memory_space<vmem>>, vector<1x16xf32>,
      %get3A_303 = vector.shape_cast %get3A_302 : vector<1x16xf32> to vector<16xf32>
      %add3A_304 = arith.addf %add3A_297, %get3A_303 : vector<16xf32>
      %add3A_305 = arith.constant 11 : i32
      %add3A_306 = arith.addi %mul3A_90, %add3A_305 : i32
      %get3A_307 = arith.index_cast %add3A_306 : i32 to index
      %get3A_308 = arith.constant 16 : index
      %get3A_309 = tpu.vector_load %arg6[%get3A_307, %get3A_308] {strides = array<i32>} : memref<640x128xf32, #tpu.memory_space<vmem>>, vector<1x16xf32>,
      %get3A_310 = vector.shape_cast %get3A_309 : vector<1x16xf32> to vector<16xf32>
      %add3A_311 = arith.addf %add3A_304, %get3A_310 : vector<16xf32>
      %add3A_312 = arith.constant 12 : i32
      %add3A_313 = arith.addi %mul3A_90, %add3A_312 : i32
      %get3A_314 = arith.index_cast %add3A_313 : i32 to index
      %get3A_315 = arith.constant 16 : index
      %get3A_316 = tpu.vector_load %arg6[%get3A_314, %get3A_315] {strides = array<i32>} : memref<640x128xf32, #tpu.memory_space<vmem>>, vector<1x16xf32>,
      %get3A_317 = vector.shape_cast %get3A_316 : vector<1x16xf32> to vector<16xf32>
      %add3A_318 = arith.addf %add3A_311, %get3A_317 : vector<16xf32>
      %add3A_319 = arith.constant 13 : i32
      %add3A_320 = arith.addi %mul3A_90, %add3A_319 : i32
      %get3A_321 = arith.index_cast %add3A_320 : i32 to index
      %get3A_322 = arith.constant 16 : index
      %get3A_323 = tpu.vector_load %arg6[%get3A_321, %get3A_322] {strides = array<i32>} : memref<640x128xf32, #tpu.memory_space<vmem>>, vector<1x16xf32>,
      %get3A_324 = vector.shape_cast %get3A_323 : vector<1x16xf32> to vector<16xf32>
      %add3A_325 = arith.addf %add3A_318, %get3A_324 : vector<16xf32>
      %add3A_326 = arith.constant 14 : i32
      %add3A_327 = arith.addi %mul3A_90, %add3A_326 : i32
      %get3A_328 = arith.index_cast %add3A_327 : i32 to index
      %get3A_329 = arith.constant 16 : index
      %get3A_330 = tpu.vector_load %arg6[%get3A_328, %get3A_329] {strides = array<i32>} : memref<640x128xf32, #tpu.memory_space<vmem>>, vector<1x16xf32>,
      %get3A_331 = vector.shape_cast %get3A_330 : vector<1x16xf32> to vector<16xf32>
      %add3A_332 = arith.addf %add3A_325, %get3A_331 : vector<16xf32>
      %add3A_333 = arith.constant 15 : i32
      %add3A_334 = arith.addi %mul3A_90, %add3A_333 : i32
      %get3A_335 = arith.index_cast %add3A_334 : i32 to index
      %get3A_336 = arith.constant 16 : index
      %get3A_337 = tpu.vector_load %arg6[%get3A_335, %get3A_336] {strides = array<i32>} : memref<640x128xf32, #tpu.memory_space<vmem>>, vector<1x16xf32>,
      %get3A_338 = vector.shape_cast %get3A_337 : vector<1x16xf32> to vector<16xf32>
      %add3A_339 = arith.addf %add3A_332, %get3A_338 : vector<16xf32>
      %add3A_340 = arith.constant 16 : i32
      %add3A_341 = arith.addi %mul3A_90, %add3A_340 : i32
      %get3A_342 = arith.index_cast %add3A_341 : i32 to index
      %get3A_343 = arith.constant 16 : index
      %get3A_344 = tpu.vector_load %arg6[%get3A_342, %get3A_343] {strides = array<i32>} : memref<640x128xf32, #tpu.memory_space<vmem>>, vector<1x16xf32>,
      %get3A_345 = vector.shape_cast %get3A_344 : vector<1x16xf32> to vector<16xf32>
      %add3A_346 = arith.addf %add3A_339, %get3A_345 : vector<16xf32>
      %add3A_347 = arith.constant 17 : i32
      %add3A_348 = arith.addi %mul3A_90, %add3A_347 : i32
      %get3A_349 = arith.index_cast %add3A_348 : i32 to index
      %get3A_350 = arith.constant 16 : index
      %get3A_351 = tpu.vector_load %arg6[%get3A_349, %get3A_350] {strides = array<i32>} : memref<640x128xf32, #tpu.memory_space<vmem>>, vector<1x16xf32>,
      %get3A_352 = vector.shape_cast %get3A_351 : vector<1x16xf32> to vector<16xf32>
      %add3A_353 = arith.addf %add3A_346, %get3A_352 : vector<16xf32>
      %add3A_354 = arith.constant 18 : i32
      %add3A_355 = arith.addi %mul3A_90, %add3A_354 : i32
      %get3A_356 = arith.index_cast %add3A_355 : i32 to index
      %get3A_357 = arith.constant 16 : index
      %get3A_358 = tpu.vector_load %arg6[%get3A_356, %get3A_357] {strides = array<i32>} : memref<640x128xf32, #tpu.memory_space<vmem>>, vector<1x16xf32>,
      %get3A_359 = vector.shape_cast %get3A_358 : vector<1x16xf32> to vector<16xf32>
      %add3A_360 = arith.addf %add3A_353, %get3A_359 : vector<16xf32>
      %add3A_361 = arith.constant 19 : i32
      %add3A_362 = arith.addi %mul3A_90, %add3A_361 : i32
      %get3A_363 = arith.index_cast %add3A_362 : i32 to index
      %get3A_364 = arith.constant 16 : index
      %get3A_365 = tpu.vector_load %arg6[%get3A_363, %get3A_364] {strides = array<i32>} : memref<640x128xf32, #tpu.memory_space<vmem>>, vector<1x16xf32>,
      %get3A_366 = vector.shape_cast %get3A_365 : vector<1x16xf32> to vector<16xf32>
      %add3A_367 = arith.addf %add3A_360, %get3A_366 : vector<16xf32>
      %swap3A_368 = arith.index_cast %scan3A_88 : i32 to index
      %swap3A_369 = arith.constant 16 : index
      %swap3A_370 = tpu.vector_load %arg7[%swap3A_368, %swap3A_369] {strides = array<i32>} : memref<32x128xf32, #tpu.memory_space<vmem>>, vector<1x16xf32>,
      %swap3A_371 = vector.shape_cast %swap3A_370 : vector<1x16xf32> to vector<16xf32>
      %swap3A_372 = vector.shape_cast %add3A_367 : vector<16xf32> to vector<1x16xf32>
      tpu.vector_store %arg7[%swap3A_368, %swap3A_369], %swap3A_372 {strides = array<i32>} : memref<32x128xf32, #tpu.memory_space<vmem>>, vector<1x16xf32>,
      %get3A_373 = arith.index_cast %mul3A_90 : i32 to index
      %get3A_374 = arith.constant 32 : index
      %get3A_375 = tpu.vector_load %arg6[%get3A_373, %get3A_374] {strides = array<i32>} : memref<640x128xf32, #tpu.memory_space<vmem>>, vector<1x16xf32>,
      %get3A_376 = vector.shape_cast %get3A_375 : vector<1x16xf32> to vector<16xf32>
      %add3A_377 = arith.constant 1 : i32
      %add3A_378 = arith.addi %mul3A_90, %add3A_377 : i32
      %get3A_379 = arith.index_cast %add3A_378 : i32 to index
      %get3A_380 = arith.constant 32 : index
      %get3A_381 = tpu.vector_load %arg6[%get3A_379, %get3A_380] {strides = array<i32>} : memref<640x128xf32, #tpu.memory_space<vmem>>, vector<1x16xf32>,
      %get3A_382 = vector.shape_cast %get3A_381 : vector<1x16xf32> to vector<16xf32>
      %add3A_383 = arith.addf %get3A_376, %get3A_382 : vector<16xf32>
      %add3A_384 = arith.constant 2 : i32
      %add3A_385 = arith.addi %mul3A_90, %add3A_384 : i32
      %get3A_386 = arith.index_cast %add3A_385 : i32 to index
      %get3A_387 = arith.constant 32 : index
      %get3A_388 = tpu.vector_load %arg6[%get3A_386, %get3A_387] {strides = array<i32>} : memref<640x128xf32, #tpu.memory_space<vmem>>, vector<1x16xf32>,
      %get3A_389 = vector.shape_cast %get3A_388 : vector<1x16xf32> to vector<16xf32>
      %add3A_390 = arith.addf %add3A_383, %get3A_389 : vector<16xf32>
      %add3A_391 = arith.constant 3 : i32
      %add3A_392 = arith.addi %mul3A_90, %add3A_391 : i32
      %get3A_393 = arith.index_cast %add3A_392 : i32 to index
      %get3A_394 = arith.constant 32 : index
      %get3A_395 = tpu.vector_load %arg6[%get3A_393, %get3A_394] {strides = array<i32>} : memref<640x128xf32, #tpu.memory_space<vmem>>, vector<1x16xf32>,
      %get3A_396 = vector.shape_cast %get3A_395 : vector<1x16xf32> to vector<16xf32>
      %add3A_397 = arith.addf %add3A_390, %get3A_396 : vector<16xf32>
      %add3A_398 = arith.constant 4 : i32
      %add3A_399 = arith.addi %mul3A_90, %add3A_398 : i32
      %get3A_400 = arith.index_cast %add3A_399 : i32 to index
      %get3A_401 = arith.constant 32 : index
      %get3A_402 = tpu.vector_load %arg6[%get3A_400, %get3A_401] {strides = array<i32>} : memref<640x128xf32, #tpu.memory_space<vmem>>, vector<1x16xf32>,
      %get3A_403 = vector.shape_cast %get3A_402 : vector<1x16xf32> to vector<16xf32>
      %add3A_404 = arith.addf %add3A_397, %get3A_403 : vector<16xf32>
      %add3A_405 = arith.constant 5 : i32
      %add3A_406 = arith.addi %mul3A_90, %add3A_405 : i32
      %get3A_407 = arith.index_cast %add3A_406 : i32 to index
      %get3A_408 = arith.constant 32 : index
      %get3A_409 = tpu.vector_load %arg6[%get3A_407, %get3A_408] {strides = array<i32>} : memref<640x128xf32, #tpu.memory_space<vmem>>, vector<1x16xf32>,
      %get3A_410 = vector.shape_cast %get3A_409 : vector<1x16xf32> to vector<16xf32>
      %add3A_411 = arith.addf %add3A_404, %get3A_410 : vector<16xf32>
      %add3A_412 = arith.constant 6 : i32
      %add3A_413 = arith.addi %mul3A_90, %add3A_412 : i32
      %get3A_414 = arith.index_cast %add3A_413 : i32 to index
      %get3A_415 = arith.constant 32 : index
      %get3A_416 = tpu.vector_load %arg6[%get3A_414, %get3A_415] {strides = array<i32>} : memref<640x128xf32, #tpu.memory_space<vmem>>, vector<1x16xf32>,
      %get3A_417 = vector.shape_cast %get3A_416 : vector<1x16xf32> to vector<16xf32>
      %add3A_418 = arith.addf %add3A_411, %get3A_417 : vector<16xf32>
      %add3A_419 = arith.constant 7 : i32
      %add3A_420 = arith.addi %mul3A_90, %add3A_419 : i32
      %get3A_421 = arith.index_cast %add3A_420 : i32 to index
      %get3A_422 = arith.constant 32 : index
      %get3A_423 = tpu.vector_load %arg6[%get3A_421, %get3A_422] {strides = array<i32>} : memref<640x128xf32, #tpu.memory_space<vmem>>, vector<1x16xf32>,
      %get3A_424 = vector.shape_cast %get3A_423 : vector<1x16xf32> to vector<16xf32>
      %add3A_425 = arith.addf %add3A_418, %get3A_424 : vector<16xf32>
      %add3A_426 = arith.constant 8 : i32
      %add3A_427 = arith.addi %mul3A_90, %add3A_426 : i32
      %get3A_428 = arith.index_cast %add3A_427 : i32 to index
      %get3A_429 = arith.constant 32 : index
      %get3A_430 = tpu.vector_load %arg6[%get3A_428, %get3A_429] {strides = array<i32>} : memref<640x128xf32, #tpu.memory_space<vmem>>, vector<1x16xf32>,
      %get3A_431 = vector.shape_cast %get3A_430 : vector<1x16xf32> to vector<16xf32>
      %add3A_432 = arith.addf %add3A_425, %get3A_431 : vector<16xf32>
      %add3A_433 = arith.constant 9 : i32
      %add3A_434 = arith.addi %mul3A_90, %add3A_433 : i32
      %get3A_435 = arith.index_cast %add3A_434 : i32 to index
      %get3A_436 = arith.constant 32 : index
      %get3A_437 = tpu.vector_load %arg6[%get3A_435, %get3A_436] {strides = array<i32>} : memref<640x128xf32, #tpu.memory_space<vmem>>, vector<1x16xf32>,
      %get3A_438 = vector.shape_cast %get3A_437 : vector<1x16xf32> to vector<16xf32>
      %add3A_439 = arith.addf %add3A_432, %get3A_438 : vector<16xf32>
      %add3A_440 = arith.constant 10 : i32
      %add3A_441 = arith.addi %mul3A_90, %add3A_440 : i32
      %get3A_442 = arith.index_cast %add3A_441 : i32 to index
      %get3A_443 = arith.constant 32 : index
      %get3A_444 = tpu.vector_load %arg6[%get3A_442, %get3A_443] {strides = array<i32>} : memref<640x128xf32, #tpu.memory_space<vmem>>, vector<1x16xf32>,
      %get3A_445 = vector.shape_cast %get3A_444 : vector<1x16xf32> to vector<16xf32>
      %add3A_446 = arith.addf %add3A_439, %get3A_445 : vector<16xf32>
      %add3A_447 = arith.constant 11 : i32
      %add3A_448 = arith.addi %mul3A_90, %add3A_447 : i32
      %get3A_449 = arith.index_cast %add3A_448 : i32 to index
      %get3A_450 = arith.constant 32 : index
      %get3A_451 = tpu.vector_load %arg6[%get3A_449, %get3A_450] {strides = array<i32>} : memref<640x128xf32, #tpu.memory_space<vmem>>, vector<1x16xf32>,
      %get3A_452 = vector.shape_cast %get3A_451 : vector<1x16xf32> to vector<16xf32>
      %add3A_453 = arith.addf %add3A_446, %get3A_452 : vector<16xf32>
      %add3A_454 = arith.constant 12 : i32
      %add3A_455 = arith.addi %mul3A_90, %add3A_454 : i32
      %get3A_456 = arith.index_cast %add3A_455 : i32 to index
      %get3A_457 = arith.constant 32 : index
      %get3A_458 = tpu.vector_load %arg6[%get3A_456, %get3A_457] {strides = array<i32>} : memref<640x128xf32, #tpu.memory_space<vmem>>, vector<1x16xf32>,
      %get3A_459 = vector.shape_cast %get3A_458 : vector<1x16xf32> to vector<16xf32>
      %add3A_460 = arith.addf %add3A_453, %get3A_459 : vector<16xf32>
      %add3A_461 = arith.constant 13 : i32
      %add3A_462 = arith.addi %mul3A_90, %add3A_461 : i32
      %get3A_463 = arith.index_cast %add3A_462 : i32 to index
      %get3A_464 = arith.constant 32 : index
      %get3A_465 = tpu.vector_load %arg6[%get3A_463, %get3A_464] {strides = array<i32>} : memref<640x128xf32, #tpu.memory_space<vmem>>, vector<1x16xf32>,
      %get3A_466 = vector.shape_cast %get3A_465 : vector<1x16xf32> to vector<16xf32>
      %add3A_467 = arith.addf %add3A_460, %get3A_466 : vector<16xf32>
      %add3A_468 = arith.constant 14 : i32
      %add3A_469 = arith.addi %mul3A_90, %add3A_468 : i32
      %get3A_470 = arith.index_cast %add3A_469 : i32 to index
      %get3A_471 = arith.constant 32 : index
      %get3A_472 = tpu.vector_load %arg6[%get3A_470, %get3A_471] {strides = array<i32>} : memref<640x128xf32, #tpu.memory_space<vmem>>, vector<1x16xf32>,
      %get3A_473 = vector.shape_cast %get3A_472 : vector<1x16xf32> to vector<16xf32>
      %add3A_474 = arith.addf %add3A_467, %get3A_473 : vector<16xf32>
      %add3A_475 = arith.constant 15 : i32
      %add3A_476 = arith.addi %mul3A_90, %add3A_475 : i32
      %get3A_477 = arith.index_cast %add3A_476 : i32 to index
      %get3A_478 = arith.constant 32 : index
      %get3A_479 = tpu.vector_load %arg6[%get3A_477, %get3A_478] {strides = array<i32>} : memref<640x128xf32, #tpu.memory_space<vmem>>, vector<1x16xf32>,
      %get3A_480 = vector.shape_cast %get3A_479 : vector<1x16xf32> to vector<16xf32>
      %add3A_481 = arith.addf %add3A_474, %get3A_480 : vector<16xf32>
      %add3A_482 = arith.constant 16 : i32
      %add3A_483 = arith.addi %mul3A_90, %add3A_482 : i32
      %get3A_484 = arith.index_cast %add3A_483 : i32 to index
      %get3A_485 = arith.constant 32 : index
      %get3A_486 = tpu.vector_load %arg6[%get3A_484, %get3A_485] {strides = array<i32>} : memref<640x128xf32, #tpu.memory_space<vmem>>, vector<1x16xf32>,
      %get3A_487 = vector.shape_cast %get3A_486 : vector<1x16xf32> to vector<16xf32>
      %add3A_488 = arith.addf %add3A_481, %get3A_487 : vector<16xf32>
      %add3A_489 = arith.constant 17 : i32
      %add3A_490 = arith.addi %mul3A_90, %add3A_489 : i32
      %get3A_491 = arith.index_cast %add3A_490 : i32 to index
      %get3A_492 = arith.constant 32 : index
      %get3A_493 = tpu.vector_load %arg6[%get3A_491, %get3A_492] {strides = array<i32>} : memref<640x128xf32, #tpu.memory_space<vmem>>, vector<1x16xf32>,
      %get3A_494 = vector.shape_cast %get3A_493 : vector<1x16xf32> to vector<16xf32>
      %add3A_495 = arith.addf %add3A_488, %get3A_494 : vector<16xf32>
      %add3A_496 = arith.constant 18 : i32
      %add3A_497 = arith.addi %mul3A_90, %add3A_496 : i32
      %get3A_498 = arith.index_cast %add3A_497 : i32 to index
      %get3A_499 = arith.constant 32 : index
      %get3A_500 = tpu.vector_load %arg6[%get3A_498, %get3A_499] {strides = array<i32>} : memref<640x128xf32, #tpu.memory_space<vmem>>, vector<1x16xf32>,
      %get3A_501 = vector.shape_cast %get3A_500 : vector<1x16xf32> to vector<16xf32>
      %add3A_502 = arith.addf %add3A_495, %get3A_501 : vector<16xf32>
      %add3A_503 = arith.constant 19 : i32
      %add3A_504 = arith.addi %mul3A_90, %add3A_503 : i32
      %get3A_505 = arith.index_cast %add3A_504 : i32 to index
      %get3A_506 = arith.constant 32 : index
      %get3A_507 = tpu.vector_load %arg6[%get3A_505, %get3A_506] {strides = array<i32>} : memref<640x128xf32, #tpu.memory_space<vmem>>, vector<1x16xf32>,
      %get3A_508 = vector.shape_cast %get3A_507 : vector<1x16xf32> to vector<16xf32>
      %add3A_509 = arith.addf %add3A_502, %get3A_508 : vector<16xf32>
      %swap3A_510 = arith.index_cast %scan3A_88 : i32 to index
      %swap3A_511 = arith.constant 32 : index
      %swap3A_512 = tpu.vector_load %arg7[%swap3A_510, %swap3A_511] {strides = array<i32>} : memref<32x128xf32, #tpu.memory_space<vmem>>, vector<1x16xf32>,
      %swap3A_513 = vector.shape_cast %swap3A_512 : vector<1x16xf32> to vector<16xf32>
      %swap3A_514 = vector.shape_cast %add3A_509 : vector<16xf32> to vector<1x16xf32>
      tpu.vector_store %arg7[%swap3A_510, %swap3A_511], %swap3A_514 {strides = array<i32>} : memref<32x128xf32, #tpu.memory_space<vmem>>, vector<1x16xf32>,
      %get3A_515 = arith.index_cast %mul3A_90 : i32 to index
      %get3A_516 = arith.constant 48 : index
      %get3A_517 = tpu.vector_load %arg6[%get3A_515, %get3A_516] {strides = array<i32>} : memref<640x128xf32, #tpu.memory_space<vmem>>, vector<1x16xf32>,
      %get3A_518 = vector.shape_cast %get3A_517 : vector<1x16xf32> to vector<16xf32>
      %add3A_519 = arith.constant 1 : i32
      %add3A_520 = arith.addi %mul3A_90, %add3A_519 : i32
      %get3A_521 = arith.index_cast %add3A_520 : i32 to index
      %get3A_522 = arith.constant 48 : index
      %get3A_523 = tpu.vector_load %arg6[%get3A_521, %get3A_522] {strides = array<i32>} : memref<640x128xf32, #tpu.memory_space<vmem>>, vector<1x16xf32>,
      %get3A_524 = vector.shape_cast %get3A_523 : vector<1x16xf32> to vector<16xf32>
      %add3A_525 = arith.addf %get3A_518, %get3A_524 : vector<16xf32>
      %add3A_526 = arith.constant 2 : i32
      %add3A_527 = arith.addi %mul3A_90, %add3A_526 : i32
      %get3A_528 = arith.index_cast %add3A_527 : i32 to index
      %get3A_529 = arith.constant 48 : index
      %get3A_530 = tpu.vector_load %arg6[%get3A_528, %get3A_529] {strides = array<i32>} : memref<640x128xf32, #tpu.memory_space<vmem>>, vector<1x16xf32>,
      %get3A_531 = vector.shape_cast %get3A_530 : vector<1x16xf32> to vector<16xf32>
      %add3A_532 = arith.addf %add3A_525, %get3A_531 : vector<16xf32>
      %add3A_533 = arith.constant 3 : i32
      %add3A_534 = arith.addi %mul3A_90, %add3A_533 : i32
      %get3A_535 = arith.index_cast %add3A_534 : i32 to index
      %get3A_536 = arith.constant 48 : index
      %get3A_537 = tpu.vector_load %arg6[%get3A_535, %get3A_536] {strides = array<i32>} : memref<640x128xf32, #tpu.memory_space<vmem>>, vector<1x16xf32>,
      %get3A_538 = vector.shape_cast %get3A_537 : vector<1x16xf32> to vector<16xf32>
      %add3A_539 = arith.addf %add3A_532, %get3A_538 : vector<16xf32>
      %add3A_540 = arith.constant 4 : i32
      %add3A_541 = arith.addi %mul3A_90, %add3A_540 : i32
      %get3A_542 = arith.index_cast %add3A_541 : i32 to index
      %get3A_543 = arith.constant 48 : index
      %get3A_544 = tpu.vector_load %arg6[%get3A_542, %get3A_543] {strides = array<i32>} : memref<640x128xf32, #tpu.memory_space<vmem>>, vector<1x16xf32>,
      %get3A_545 = vector.shape_cast %get3A_544 : vector<1x16xf32> to vector<16xf32>
      %add3A_546 = arith.addf %add3A_539, %get3A_545 : vector<16xf32>
      %add3A_547 = arith.constant 5 : i32
      %add3A_548 = arith.addi %mul3A_90, %add3A_547 : i32
      %get3A_549 = arith.index_cast %add3A_548 : i32 to index
      %get3A_550 = arith.constant 48 : index
      %get3A_551 = tpu.vector_load %arg6[%get3A_549, %get3A_550] {strides = array<i32>} : memref<640x128xf32, #tpu.memory_space<vmem>>, vector<1x16xf32>,
      %get3A_552 = vector.shape_cast %get3A_551 : vector<1x16xf32> to vector<16xf32>
      %add3A_553 = arith.addf %add3A_546, %get3A_552 : vector<16xf32>
      %add3A_554 = arith.constant 6 : i32
      %add3A_555 = arith.addi %mul3A_90, %add3A_554 : i32
      %get3A_556 = arith.index_cast %add3A_555 : i32 to index
      %get3A_557 = arith.constant 48 : index
      %get3A_558 = tpu.vector_load %arg6[%get3A_556, %get3A_557] {strides = array<i32>} : memref<640x128xf32, #tpu.memory_space<vmem>>, vector<1x16xf32>,
      %get3A_559 = vector.shape_cast %get3A_558 : vector<1x16xf32> to vector<16xf32>
      %add3A_560 = arith.addf %add3A_553, %get3A_559 : vector<16xf32>
      %add3A_561 = arith.constant 7 : i32
      %add3A_562 = arith.addi %mul3A_90, %add3A_561 : i32
      %get3A_563 = arith.index_cast %add3A_562 : i32 to index
      %get3A_564 = arith.constant 48 : index
      %get3A_565 = tpu.vector_load %arg6[%get3A_563, %get3A_564] {strides = array<i32>} : memref<640x128xf32, #tpu.memory_space<vmem>>, vector<1x16xf32>,
      %get3A_566 = vector.shape_cast %get3A_565 : vector<1x16xf32> to vector<16xf32>
      %add3A_567 = arith.addf %add3A_560, %get3A_566 : vector<16xf32>
      %add3A_568 = arith.constant 8 : i32
      %add3A_569 = arith.addi %mul3A_90, %add3A_568 : i32
      %get3A_570 = arith.index_cast %add3A_569 : i32 to index
      %get3A_571 = arith.constant 48 : index
      %get3A_572 = tpu.vector_load %arg6[%get3A_570, %get3A_571] {strides = array<i32>} : memref<640x128xf32, #tpu.memory_space<vmem>>, vector<1x16xf32>,
      %get3A_573 = vector.shape_cast %get3A_572 : vector<1x16xf32> to vector<16xf32>
      %add3A_574 = arith.addf %add3A_567, %get3A_573 : vector<16xf32>
      %add3A_575 = arith.constant 9 : i32
      %add3A_576 = arith.addi %mul3A_90, %add3A_575 : i32
      %get3A_577 = arith.index_cast %add3A_576 : i32 to index
      %get3A_578 = arith.constant 48 : index
      %get3A_579 = tpu.vector_load %arg6[%get3A_577, %get3A_578] {strides = array<i32>} : memref<640x128xf32, #tpu.memory_space<vmem>>, vector<1x16xf32>,
      %get3A_580 = vector.shape_cast %get3A_579 : vector<1x16xf32> to vector<16xf32>
      %add3A_581 = arith.addf %add3A_574, %get3A_580 : vector<16xf32>
      %add3A_582 = arith.constant 10 : i32
      %add3A_583 = arith.addi %mul3A_90, %add3A_582 : i32
      %get3A_584 = arith.index_cast %add3A_583 : i32 to index
      %get3A_585 = arith.constant 48 : index
      %get3A_586 = tpu.vector_load %arg6[%get3A_584, %get3A_585] {strides = array<i32>} : memref<640x128xf32, #tpu.memory_space<vmem>>, vector<1x16xf32>,
      %get3A_587 = vector.shape_cast %get3A_586 : vector<1x16xf32> to vector<16xf32>
      %add3A_588 = arith.addf %add3A_581, %get3A_587 : vector<16xf32>
      %add3A_589 = arith.constant 11 : i32
      %add3A_590 = arith.addi %mul3A_90, %add3A_589 : i32
      %get3A_591 = arith.index_cast %add3A_590 : i32 to index
      %get3A_592 = arith.constant 48 : index
      %get3A_593 = tpu.vector_load %arg6[%get3A_591, %get3A_592] {strides = array<i32>} : memref<640x128xf32, #tpu.memory_space<vmem>>, vector<1x16xf32>,
      %get3A_594 = vector.shape_cast %get3A_593 : vector<1x16xf32> to vector<16xf32>
      %add3A_595 = arith.addf %add3A_588, %get3A_594 : vector<16xf32>
      %add3A_596 = arith.constant 12 : i32
      %add3A_597 = arith.addi %mul3A_90, %add3A_596 : i32
      %get3A_598 = arith.index_cast %add3A_597 : i32 to index
      %get3A_599 = arith.constant 48 : index
      %get3A_600 = tpu.vector_load %arg6[%get3A_598, %get3A_599] {strides = array<i32>} : memref<640x128xf32, #tpu.memory_space<vmem>>, vector<1x16xf32>,
      %get3A_601 = vector.shape_cast %get3A_600 : vector<1x16xf32> to vector<16xf32>
      %add3A_602 = arith.addf %add3A_595, %get3A_601 : vector<16xf32>
      %add3A_603 = arith.constant 13 : i32
      %add3A_604 = arith.addi %mul3A_90, %add3A_603 : i32
      %get3A_605 = arith.index_cast %add3A_604 : i32 to index
      %get3A_606 = arith.constant 48 : index
      %get3A_607 = tpu.vector_load %arg6[%get3A_605, %get3A_606] {strides = array<i32>} : memref<640x128xf32, #tpu.memory_space<vmem>>, vector<1x16xf32>,
      %get3A_608 = vector.shape_cast %get3A_607 : vector<1x16xf32> to vector<16xf32>
      %add3A_609 = arith.addf %add3A_602, %get3A_608 : vector<16xf32>
      %add3A_610 = arith.constant 14 : i32
      %add3A_611 = arith.addi %mul3A_90, %add3A_610 : i32
      %get3A_612 = arith.index_cast %add3A_611 : i32 to index
      %get3A_613 = arith.constant 48 : index
      %get3A_614 = tpu.vector_load %arg6[%get3A_612, %get3A_613] {strides = array<i32>} : memref<640x128xf32, #tpu.memory_space<vmem>>, vector<1x16xf32>,
      %get3A_615 = vector.shape_cast %get3A_614 : vector<1x16xf32> to vector<16xf32>
      %add3A_616 = arith.addf %add3A_609, %get3A_615 : vector<16xf32>
      %add3A_617 = arith.constant 15 : i32
      %add3A_618 = arith.addi %mul3A_90, %add3A_617 : i32
      %get3A_619 = arith.index_cast %add3A_618 : i32 to index
      %get3A_620 = arith.constant 48 : index
      %get3A_621 = tpu.vector_load %arg6[%get3A_619, %get3A_620] {strides = array<i32>} : memref<640x128xf32, #tpu.memory_space<vmem>>, vector<1x16xf32>,
      %get3A_622 = vector.shape_cast %get3A_621 : vector<1x16xf32> to vector<16xf32>
      %add3A_623 = arith.addf %add3A_616, %get3A_622 : vector<16xf32>
      %add3A_624 = arith.constant 16 : i32
      %add3A_625 = arith.addi %mul3A_90, %add3A_624 : i32
      %get3A_626 = arith.index_cast %add3A_625 : i32 to index
      %get3A_627 = arith.constant 48 : index
      %get3A_628 = tpu.vector_load %arg6[%get3A_626, %get3A_627] {strides = array<i32>} : memref<640x128xf32, #tpu.memory_space<vmem>>, vector<1x16xf32>,
      %get3A_629 = vector.shape_cast %get3A_628 : vector<1x16xf32> to vector<16xf32>
      %add3A_630 = arith.addf %add3A_623, %get3A_629 : vector<16xf32>
      %add3A_631 = arith.constant 17 : i32
      %add3A_632 = arith.addi %mul3A_90, %add3A_631 : i32
      %get3A_633 = arith.index_cast %add3A_632 : i32 to index
      %get3A_634 = arith.constant 48 : index
      %get3A_635 = tpu.vector_load %arg6[%get3A_633, %get3A_634] {strides = array<i32>} : memref<640x128xf32, #tpu.memory_space<vmem>>, vector<1x16xf32>,
      %get3A_636 = vector.shape_cast %get3A_635 : vector<1x16xf32> to vector<16xf32>
      %add3A_637 = arith.addf %add3A_630, %get3A_636 : vector<16xf32>
      %add3A_638 = arith.constant 18 : i32
      %add3A_639 = arith.addi %mul3A_90, %add3A_638 : i32
      %get3A_640 = arith.index_cast %add3A_639 : i32 to index
      %get3A_641 = arith.constant 48 : index
      %get3A_642 = tpu.vector_load %arg6[%get3A_640, %get3A_641] {strides = array<i32>} : memref<640x128xf32, #tpu.memory_space<vmem>>, vector<1x16xf32>,
      %get3A_643 = vector.shape_cast %get3A_642 : vector<1x16xf32> to vector<16xf32>
      %add3A_644 = arith.addf %add3A_637, %get3A_643 : vector<16xf32>
      %add3A_645 = arith.constant 19 : i32
      %add3A_646 = arith.addi %mul3A_90, %add3A_645 : i32
      %get3A_647 = arith.index_cast %add3A_646 : i32 to index
      %get3A_648 = arith.constant 48 : index
      %get3A_649 = tpu.vector_load %arg6[%get3A_647, %get3A_648] {strides = array<i32>} : memref<640x128xf32, #tpu.memory_space<vmem>>, vector<1x16xf32>,
      %get3A_650 = vector.shape_cast %get3A_649 : vector<1x16xf32> to vector<16xf32>
      %add3A_651 = arith.addf %add3A_644, %get3A_650 : vector<16xf32>
      %swap3A_652 = arith.index_cast %scan3A_88 : i32 to index
      %swap3A_653 = arith.constant 48 : index
      %swap3A_654 = tpu.vector_load %arg7[%swap3A_652, %swap3A_653] {strides = array<i32>} : memref<32x128xf32, #tpu.memory_space<vmem>>, vector<1x16xf32>,
      %swap3A_655 = vector.shape_cast %swap3A_654 : vector<1x16xf32> to vector<16xf32>
      %swap3A_656 = vector.shape_cast %add3A_651 : vector<16xf32> to vector<1x16xf32>
      tpu.vector_store %arg7[%swap3A_652, %swap3A_653], %swap3A_656 {strides = array<i32>} : memref<32x128xf32, #tpu.memory_space<vmem>>, vector<1x16xf32>,
      %get3A_657 = arith.index_cast %mul3A_90 : i32 to index
      %get3A_658 = arith.constant 64 : index
      %get3A_659 = tpu.vector_load %arg6[%get3A_657, %get3A_658] {strides = array<i32>} : memref<640x128xf32, #tpu.memory_space<vmem>>, vector<1x16xf32>,
      %get3A_660 = vector.shape_cast %get3A_659 : vector<1x16xf32> to vector<16xf32>
      %add3A_661 = arith.constant 1 : i32
      %add3A_662 = arith.addi %mul3A_90, %add3A_661 : i32
      %get3A_663 = arith.index_cast %add3A_662 : i32 to index
      %get3A_664 = arith.constant 64 : index
      %get3A_665 = tpu.vector_load %arg6[%get3A_663, %get3A_664] {strides = array<i32>} : memref<640x128xf32, #tpu.memory_space<vmem>>, vector<1x16xf32>,
      %get3A_666 = vector.shape_cast %get3A_665 : vector<1x16xf32> to vector<16xf32>
      %add3A_667 = arith.addf %get3A_660, %get3A_666 : vector<16xf32>
      %add3A_668 = arith.constant 2 : i32
      %add3A_669 = arith.addi %mul3A_90, %add3A_668 : i32
      %get3A_670 = arith.index_cast %add3A_669 : i32 to index
      %get3A_671 = arith.constant 64 : index
      %get3A_672 = tpu.vector_load %arg6[%get3A_670, %get3A_671] {strides = array<i32>} : memref<640x128xf32, #tpu.memory_space<vmem>>, vector<1x16xf32>,
      %get3A_673 = vector.shape_cast %get3A_672 : vector<1x16xf32> to vector<16xf32>
      %add3A_674 = arith.addf %add3A_667, %get3A_673 : vector<16xf32>
      %add3A_675 = arith.constant 3 : i32
      %add3A_676 = arith.addi %mul3A_90, %add3A_675 : i32
      %get3A_677 = arith.index_cast %add3A_676 : i32 to index
      %get3A_678 = arith.constant 64 : index
      %get3A_679 = tpu.vector_load %arg6[%get3A_677, %get3A_678] {strides = array<i32>} : memref<640x128xf32, #tpu.memory_space<vmem>>, vector<1x16xf32>,
      %get3A_680 = vector.shape_cast %get3A_679 : vector<1x16xf32> to vector<16xf32>
      %add3A_681 = arith.addf %add3A_674, %get3A_680 : vector<16xf32>
      %add3A_682 = arith.constant 4 : i32
      %add3A_683 = arith.addi %mul3A_90, %add3A_682 : i32
      %get3A_684 = arith.index_cast %add3A_683 : i32 to index
      %get3A_685 = arith.constant 64 : index
      %get3A_686 = tpu.vector_load %arg6[%get3A_684, %get3A_685] {strides = array<i32>} : memref<640x128xf32, #tpu.memory_space<vmem>>, vector<1x16xf32>,
      %get3A_687 = vector.shape_cast %get3A_686 : vector<1x16xf32> to vector<16xf32>
      %add3A_688 = arith.addf %add3A_681, %get3A_687 : vector<16xf32>
      %add3A_689 = arith.constant 5 : i32
      %add3A_690 = arith.addi %mul3A_90, %add3A_689 : i32
      %get3A_691 = arith.index_cast %add3A_690 : i32 to index
      %get3A_692 = arith.constant 64 : index
      %get3A_693 = tpu.vector_load %arg6[%get3A_691, %get3A_692] {strides = array<i32>} : memref<640x128xf32, #tpu.memory_space<vmem>>, vector<1x16xf32>,
      %get3A_694 = vector.shape_cast %get3A_693 : vector<1x16xf32> to vector<16xf32>
      %add3A_695 = arith.addf %add3A_688, %get3A_694 : vector<16xf32>
      %add3A_696 = arith.constant 6 : i32
      %add3A_697 = arith.addi %mul3A_90, %add3A_696 : i32
      %get3A_698 = arith.index_cast %add3A_697 : i32 to index
      %get3A_699 = arith.constant 64 : index
      %get3A_700 = tpu.vector_load %arg6[%get3A_698, %get3A_699] {strides = array<i32>} : memref<640x128xf32, #tpu.memory_space<vmem>>, vector<1x16xf32>,
      %get3A_701 = vector.shape_cast %get3A_700 : vector<1x16xf32> to vector<16xf32>
      %add3A_702 = arith.addf %add3A_695, %get3A_701 : vector<16xf32>
      %add3A_703 = arith.constant 7 : i32
      %add3A_704 = arith.addi %mul3A_90, %add3A_703 : i32
      %get3A_705 = arith.index_cast %add3A_704 : i32 to index
      %get3A_706 = arith.constant 64 : index
      %get3A_707 = tpu.vector_load %arg6[%get3A_705, %get3A_706] {strides = array<i32>} : memref<640x128xf32, #tpu.memory_space<vmem>>, vector<1x16xf32>,
      %get3A_708 = vector.shape_cast %get3A_707 : vector<1x16xf32> to vector<16xf32>
      %add3A_709 = arith.addf %add3A_702, %get3A_708 : vector<16xf32>
      %add3A_710 = arith.constant 8 : i32
      %add3A_711 = arith.addi %mul3A_90, %add3A_710 : i32
      %get3A_712 = arith.index_cast %add3A_711 : i32 to index
      %get3A_713 = arith.constant 64 : index
      %get3A_714 = tpu.vector_load %arg6[%get3A_712, %get3A_713] {strides = array<i32>} : memref<640x128xf32, #tpu.memory_space<vmem>>, vector<1x16xf32>,
      %get3A_715 = vector.shape_cast %get3A_714 : vector<1x16xf32> to vector<16xf32>
      %add3A_716 = arith.addf %add3A_709, %get3A_715 : vector<16xf32>
      %add3A_717 = arith.constant 9 : i32
      %add3A_718 = arith.addi %mul3A_90, %add3A_717 : i32
      %get3A_719 = arith.index_cast %add3A_718 : i32 to index
      %get3A_720 = arith.constant 64 : index
      %get3A_721 = tpu.vector_load %arg6[%get3A_719, %get3A_720] {strides = array<i32>} : memref<640x128xf32, #tpu.memory_space<vmem>>, vector<1x16xf32>,
      %get3A_722 = vector.shape_cast %get3A_721 : vector<1x16xf32> to vector<16xf32>
      %add3A_723 = arith.addf %add3A_716, %get3A_722 : vector<16xf32>
      %add3A_724 = arith.constant 10 : i32
      %add3A_725 = arith.addi %mul3A_90, %add3A_724 : i32
      %get3A_726 = arith.index_cast %add3A_725 : i32 to index
      %get3A_727 = arith.constant 64 : index
      %get3A_728 = tpu.vector_load %arg6[%get3A_726, %get3A_727] {strides = array<i32>} : memref<640x128xf32, #tpu.memory_space<vmem>>, vector<1x16xf32>,
      %get3A_729 = vector.shape_cast %get3A_728 : vector<1x16xf32> to vector<16xf32>
      %add3A_730 = arith.addf %add3A_723, %get3A_729 : vector<16xf32>
      %add3A_731 = arith.constant 11 : i32
      %add3A_732 = arith.addi %mul3A_90, %add3A_731 : i32
      %get3A_733 = arith.index_cast %add3A_732 : i32 to index
      %get3A_734 = arith.constant 64 : index
      %get3A_735 = tpu.vector_load %arg6[%get3A_733, %get3A_734] {strides = array<i32>} : memref<640x128xf32, #tpu.memory_space<vmem>>, vector<1x16xf32>,
      %get3A_736 = vector.shape_cast %get3A_735 : vector<1x16xf32> to vector<16xf32>
      %add3A_737 = arith.addf %add3A_730, %get3A_736 : vector<16xf32>
      %add3A_738 = arith.constant 12 : i32
      %add3A_739 = arith.addi %mul3A_90, %add3A_738 : i32
      %get3A_740 = arith.index_cast %add3A_739 : i32 to index
      %get3A_741 = arith.constant 64 : index
      %get3A_742 = tpu.vector_load %arg6[%get3A_740, %get3A_741] {strides = array<i32>} : memref<640x128xf32, #tpu.memory_space<vmem>>, vector<1x16xf32>,
      %get3A_743 = vector.shape_cast %get3A_742 : vector<1x16xf32> to vector<16xf32>
      %add3A_744 = arith.addf %add3A_737, %get3A_743 : vector<16xf32>
      %add3A_745 = arith.constant 13 : i32
      %add3A_746 = arith.addi %mul3A_90, %add3A_745 : i32
      %get3A_747 = arith.index_cast %add3A_746 : i32 to index
      %get3A_748 = arith.constant 64 : index
      %get3A_749 = tpu.vector_load %arg6[%get3A_747, %get3A_748] {strides = array<i32>} : memref<640x128xf32, #tpu.memory_space<vmem>>, vector<1x16xf32>,
      %get3A_750 = vector.shape_cast %get3A_749 : vector<1x16xf32> to vector<16xf32>
      %add3A_751 = arith.addf %add3A_744, %get3A_750 : vector<16xf32>
      %add3A_752 = arith.constant 14 : i32
      %add3A_753 = arith.addi %mul3A_90, %add3A_752 : i32
      %get3A_754 = arith.index_cast %add3A_753 : i32 to index
      %get3A_755 = arith.constant 64 : index
      %get3A_756 = tpu.vector_load %arg6[%get3A_754, %get3A_755] {strides = array<i32>} : memref<640x128xf32, #tpu.memory_space<vmem>>, vector<1x16xf32>,
      %get3A_757 = vector.shape_cast %get3A_756 : vector<1x16xf32> to vector<16xf32>
      %add3A_758 = arith.addf %add3A_751, %get3A_757 : vector<16xf32>
      %add3A_759 = arith.constant 15 : i32
      %add3A_760 = arith.addi %mul3A_90, %add3A_759 : i32
      %get3A_761 = arith.index_cast %add3A_760 : i32 to index
      %get3A_762 = arith.constant 64 : index
      %get3A_763 = tpu.vector_load %arg6[%get3A_761, %get3A_762] {strides = array<i32>} : memref<640x128xf32, #tpu.memory_space<vmem>>, vector<1x16xf32>,
      %get3A_764 = vector.shape_cast %get3A_763 : vector<1x16xf32> to vector<16xf32>
      %add3A_765 = arith.addf %add3A_758, %get3A_764 : vector<16xf32>
      %add3A_766 = arith.constant 16 : i32
      %add3A_767 = arith.addi %mul3A_90, %add3A_766 : i32
      %get3A_768 = arith.index_cast %add3A_767 : i32 to index
      %get3A_769 = arith.constant 64 : index
      %get3A_770 = tpu.vector_load %arg6[%get3A_768, %get3A_769] {strides = array<i32>} : memref<640x128xf32, #tpu.memory_space<vmem>>, vector<1x16xf32>,
      %get3A_771 = vector.shape_cast %get3A_770 : vector<1x16xf32> to vector<16xf32>
      %add3A_772 = arith.addf %add3A_765, %get3A_771 : vector<16xf32>
      %add3A_773 = arith.constant 17 : i32
      %add3A_774 = arith.addi %mul3A_90, %add3A_773 : i32
      %get3A_775 = arith.index_cast %add3A_774 : i32 to index
      %get3A_776 = arith.constant 64 : index
      %get3A_777 = tpu.vector_load %arg6[%get3A_775, %get3A_776] {strides = array<i32>} : memref<640x128xf32, #tpu.memory_space<vmem>>, vector<1x16xf32>,
      %get3A_778 = vector.shape_cast %get3A_777 : vector<1x16xf32> to vector<16xf32>
      %add3A_779 = arith.addf %add3A_772, %get3A_778 : vector<16xf32>
      %add3A_780 = arith.constant 18 : i32
      %add3A_781 = arith.addi %mul3A_90, %add3A_780 : i32
      %get3A_782 = arith.index_cast %add3A_781 : i32 to index
      %get3A_783 = arith.constant 64 : index
      %get3A_784 = tpu.vector_load %arg6[%get3A_782, %get3A_783] {strides = array<i32>} : memref<640x128xf32, #tpu.memory_space<vmem>>, vector<1x16xf32>,
      %get3A_785 = vector.shape_cast %get3A_784 : vector<1x16xf32> to vector<16xf32>
      %add3A_786 = arith.addf %add3A_779, %get3A_785 : vector<16xf32>
      %add3A_787 = arith.constant 19 : i32
      %add3A_788 = arith.addi %mul3A_90, %add3A_787 : i32
      %get3A_789 = arith.index_cast %add3A_788 : i32 to index
      %get3A_790 = arith.constant 64 : index
      %get3A_791 = tpu.vector_load %arg6[%get3A_789, %get3A_790] {strides = array<i32>} : memref<640x128xf32, #tpu.memory_space<vmem>>, vector<1x16xf32>,
      %get3A_792 = vector.shape_cast %get3A_791 : vector<1x16xf32> to vector<16xf32>
      %add3A_793 = arith.addf %add3A_786, %get3A_792 : vector<16xf32>
      %swap3A_794 = arith.index_cast %scan3A_88 : i32 to index
      %swap3A_795 = arith.constant 64 : index
      %swap3A_796 = tpu.vector_load %arg7[%swap3A_794, %swap3A_795] {strides = array<i32>} : memref<32x128xf32, #tpu.memory_space<vmem>>, vector<1x16xf32>,
      %swap3A_797 = vector.shape_cast %swap3A_796 : vector<1x16xf32> to vector<16xf32>
      %swap3A_798 = vector.shape_cast %add3A_793 : vector<16xf32> to vector<1x16xf32>
      tpu.vector_store %arg7[%swap3A_794, %swap3A_795], %swap3A_798 {strides = array<i32>} : memref<32x128xf32, #tpu.memory_space<vmem>>, vector<1x16xf32>,
      %get3A_799 = arith.index_cast %mul3A_90 : i32 to index
      %get3A_800 = arith.constant 80 : index
      %get3A_801 = tpu.vector_load %arg6[%get3A_799, %get3A_800] {strides = array<i32>} : memref<640x128xf32, #tpu.memory_space<vmem>>, vector<1x16xf32>,
      %get3A_802 = vector.shape_cast %get3A_801 : vector<1x16xf32> to vector<16xf32>
      %add3A_803 = arith.constant 1 : i32
      %add3A_804 = arith.addi %mul3A_90, %add3A_803 : i32
      %get3A_805 = arith.index_cast %add3A_804 : i32 to index
      %get3A_806 = arith.constant 80 : index
      %get3A_807 = tpu.vector_load %arg6[%get3A_805, %get3A_806] {strides = array<i32>} : memref<640x128xf32, #tpu.memory_space<vmem>>, vector<1x16xf32>,
      %get3A_808 = vector.shape_cast %get3A_807 : vector<1x16xf32> to vector<16xf32>
      %add3A_809 = arith.addf %get3A_802, %get3A_808 : vector<16xf32>
      %add3A_810 = arith.constant 2 : i32
      %add3A_811 = arith.addi %mul3A_90, %add3A_810 : i32
      %get3A_812 = arith.index_cast %add3A_811 : i32 to index
      %get3A_813 = arith.constant 80 : index
      %get3A_814 = tpu.vector_load %arg6[%get3A_812, %get3A_813] {strides = array<i32>} : memref<640x128xf32, #tpu.memory_space<vmem>>, vector<1x16xf32>,
      %get3A_815 = vector.shape_cast %get3A_814 : vector<1x16xf32> to vector<16xf32>
      %add3A_816 = arith.addf %add3A_809, %get3A_815 : vector<16xf32>
      %add3A_817 = arith.constant 3 : i32
      %add3A_818 = arith.addi %mul3A_90, %add3A_817 : i32
      %get3A_819 = arith.index_cast %add3A_818 : i32 to index
      %get3A_820 = arith.constant 80 : index
      %get3A_821 = tpu.vector_load %arg6[%get3A_819, %get3A_820] {strides = array<i32>} : memref<640x128xf32, #tpu.memory_space<vmem>>, vector<1x16xf32>,
      %get3A_822 = vector.shape_cast %get3A_821 : vector<1x16xf32> to vector<16xf32>
      %add3A_823 = arith.addf %add3A_816, %get3A_822 : vector<16xf32>
      %add3A_824 = arith.constant 4 : i32
      %add3A_825 = arith.addi %mul3A_90, %add3A_824 : i32
      %get3A_826 = arith.index_cast %add3A_825 : i32 to index
      %get3A_827 = arith.constant 80 : index
      %get3A_828 = tpu.vector_load %arg6[%get3A_826, %get3A_827] {strides = array<i32>} : memref<640x128xf32, #tpu.memory_space<vmem>>, vector<1x16xf32>,
      %get3A_829 = vector.shape_cast %get3A_828 : vector<1x16xf32> to vector<16xf32>
      %add3A_830 = arith.addf %add3A_823, %get3A_829 : vector<16xf32>
      %add3A_831 = arith.constant 5 : i32
      %add3A_832 = arith.addi %mul3A_90, %add3A_831 : i32
      %get3A_833 = arith.index_cast %add3A_832 : i32 to index
      %get3A_834 = arith.constant 80 : index
      %get3A_835 = tpu.vector_load %arg6[%get3A_833, %get3A_834] {strides = array<i32>} : memref<640x128xf32, #tpu.memory_space<vmem>>, vector<1x16xf32>,
      %get3A_836 = vector.shape_cast %get3A_835 : vector<1x16xf32> to vector<16xf32>
      %add3A_837 = arith.addf %add3A_830, %get3A_836 : vector<16xf32>
      %add3A_838 = arith.constant 6 : i32
      %add3A_839 = arith.addi %mul3A_90, %add3A_838 : i32
      %get3A_840 = arith.index_cast %add3A_839 : i32 to index
      %get3A_841 = arith.constant 80 : index
      %get3A_842 = tpu.vector_load %arg6[%get3A_840, %get3A_841] {strides = array<i32>} : memref<640x128xf32, #tpu.memory_space<vmem>>, vector<1x16xf32>,
      %get3A_843 = vector.shape_cast %get3A_842 : vector<1x16xf32> to vector<16xf32>
      %add3A_844 = arith.addf %add3A_837, %get3A_843 : vector<16xf32>
      %add3A_845 = arith.constant 7 : i32
      %add3A_846 = arith.addi %mul3A_90, %add3A_845 : i32
      %get3A_847 = arith.index_cast %add3A_846 : i32 to index
      %get3A_848 = arith.constant 80 : index
      %get3A_849 = tpu.vector_load %arg6[%get3A_847, %get3A_848] {strides = array<i32>} : memref<640x128xf32, #tpu.memory_space<vmem>>, vector<1x16xf32>,
      %get3A_850 = vector.shape_cast %get3A_849 : vector<1x16xf32> to vector<16xf32>
      %add3A_851 = arith.addf %add3A_844, %get3A_850 : vector<16xf32>
      %add3A_852 = arith.constant 8 : i32
      %add3A_853 = arith.addi %mul3A_90, %add3A_852 : i32
      %get3A_854 = arith.index_cast %add3A_853 : i32 to index
      %get3A_855 = arith.constant 80 : index
      %get3A_856 = tpu.vector_load %arg6[%get3A_854, %get3A_855] {strides = array<i32>} : memref<640x128xf32, #tpu.memory_space<vmem>>, vector<1x16xf32>,
      %get3A_857 = vector.shape_cast %get3A_856 : vector<1x16xf32> to vector<16xf32>
      %add3A_858 = arith.addf %add3A_851, %get3A_857 : vector<16xf32>
      %add3A_859 = arith.constant 9 : i32
      %add3A_860 = arith.addi %mul3A_90, %add3A_859 : i32
      %get3A_861 = arith.index_cast %add3A_860 : i32 to index
      %get3A_862 = arith.constant 80 : index
      %get3A_863 = tpu.vector_load %arg6[%get3A_861, %get3A_862] {strides = array<i32>} : memref<640x128xf32, #tpu.memory_space<vmem>>, vector<1x16xf32>,
      %get3A_864 = vector.shape_cast %get3A_863 : vector<1x16xf32> to vector<16xf32>
      %add3A_865 = arith.addf %add3A_858, %get3A_864 : vector<16xf32>
      %add3A_866 = arith.constant 10 : i32
      %add3A_867 = arith.addi %mul3A_90, %add3A_866 : i32
      %get3A_868 = arith.index_cast %add3A_867 : i32 to index
      %get3A_869 = arith.constant 80 : index
      %get3A_870 = tpu.vector_load %arg6[%get3A_868, %get3A_869] {strides = array<i32>} : memref<640x128xf32, #tpu.memory_space<vmem>>, vector<1x16xf32>,
      %get3A_871 = vector.shape_cast %get3A_870 : vector<1x16xf32> to vector<16xf32>
      %add3A_872 = arith.addf %add3A_865, %get3A_871 : vector<16xf32>
      %add3A_873 = arith.constant 11 : i32
      %add3A_874 = arith.addi %mul3A_90, %add3A_873 : i32
      %get3A_875 = arith.index_cast %add3A_874 : i32 to index
      %get3A_876 = arith.constant 80 : index
      %get3A_877 = tpu.vector_load %arg6[%get3A_875, %get3A_876] {strides = array<i32>} : memref<640x128xf32, #tpu.memory_space<vmem>>, vector<1x16xf32>,
      %get3A_878 = vector.shape_cast %get3A_877 : vector<1x16xf32> to vector<16xf32>
      %add3A_879 = arith.addf %add3A_872, %get3A_878 : vector<16xf32>
      %add3A_880 = arith.constant 12 : i32
      %add3A_881 = arith.addi %mul3A_90, %add3A_880 : i32
      %get3A_882 = arith.index_cast %add3A_881 : i32 to index
      %get3A_883 = arith.constant 80 : index
      %get3A_884 = tpu.vector_load %arg6[%get3A_882, %get3A_883] {strides = array<i32>} : memref<640x128xf32, #tpu.memory_space<vmem>>, vector<1x16xf32>,
      %get3A_885 = vector.shape_cast %get3A_884 : vector<1x16xf32> to vector<16xf32>
      %add3A_886 = arith.addf %add3A_879, %get3A_885 : vector<16xf32>
      %add3A_887 = arith.constant 13 : i32
      %add3A_888 = arith.addi %mul3A_90, %add3A_887 : i32
      %get3A_889 = arith.index_cast %add3A_888 : i32 to index
      %get3A_890 = arith.constant 80 : index
      %get3A_891 = tpu.vector_load %arg6[%get3A_889, %get3A_890] {strides = array<i32>} : memref<640x128xf32, #tpu.memory_space<vmem>>, vector<1x16xf32>,
      %get3A_892 = vector.shape_cast %get3A_891 : vector<1x16xf32> to vector<16xf32>
      %add3A_893 = arith.addf %add3A_886, %get3A_892 : vector<16xf32>
      %add3A_894 = arith.constant 14 : i32
      %add3A_895 = arith.addi %mul3A_90, %add3A_894 : i32
      %get3A_896 = arith.index_cast %add3A_895 : i32 to index
      %get3A_897 = arith.constant 80 : index
      %get3A_898 = tpu.vector_load %arg6[%get3A_896, %get3A_897] {strides = array<i32>} : memref<640x128xf32, #tpu.memory_space<vmem>>, vector<1x16xf32>,
      %get3A_899 = vector.shape_cast %get3A_898 : vector<1x16xf32> to vector<16xf32>
      %add3A_900 = arith.addf %add3A_893, %get3A_899 : vector<16xf32>
      %add3A_901 = arith.constant 15 : i32
      %add3A_902 = arith.addi %mul3A_90, %add3A_901 : i32
      %get3A_903 = arith.index_cast %add3A_902 : i32 to index
      %get3A_904 = arith.constant 80 : index
      %get3A_905 = tpu.vector_load %arg6[%get3A_903, %get3A_904] {strides = array<i32>} : memref<640x128xf32, #tpu.memory_space<vmem>>, vector<1x16xf32>,
      %get3A_906 = vector.shape_cast %get3A_905 : vector<1x16xf32> to vector<16xf32>
      %add3A_907 = arith.addf %add3A_900, %get3A_906 : vector<16xf32>
      %add3A_908 = arith.constant 16 : i32
      %add3A_909 = arith.addi %mul3A_90, %add3A_908 : i32
      %get3A_910 = arith.index_cast %add3A_909 : i32 to index
      %get3A_911 = arith.constant 80 : index
      %get3A_912 = tpu.vector_load %arg6[%get3A_910, %get3A_911] {strides = array<i32>} : memref<640x128xf32, #tpu.memory_space<vmem>>, vector<1x16xf32>,
      %get3A_913 = vector.shape_cast %get3A_912 : vector<1x16xf32> to vector<16xf32>
      %add3A_914 = arith.addf %add3A_907, %get3A_913 : vector<16xf32>
      %add3A_915 = arith.constant 17 : i32
      %add3A_916 = arith.addi %mul3A_90, %add3A_915 : i32
      %get3A_917 = arith.index_cast %add3A_916 : i32 to index
      %get3A_918 = arith.constant 80 : index
      %get3A_919 = tpu.vector_load %arg6[%get3A_917, %get3A_918] {strides = array<i32>} : memref<640x128xf32, #tpu.memory_space<vmem>>, vector<1x16xf32>,
      %get3A_920 = vector.shape_cast %get3A_919 : vector<1x16xf32> to vector<16xf32>
      %add3A_921 = arith.addf %add3A_914, %get3A_920 : vector<16xf32>
      %add3A_922 = arith.constant 18 : i32
      %add3A_923 = arith.addi %mul3A_90, %add3A_922 : i32
      %get3A_924 = arith.index_cast %add3A_923 : i32 to index
      %get3A_925 = arith.constant 80 : index
      %get3A_926 = tpu.vector_load %arg6[%get3A_924, %get3A_925] {strides = array<i32>} : memref<640x128xf32, #tpu.memory_space<vmem>>, vector<1x16xf32>,
      %get3A_927 = vector.shape_cast %get3A_926 : vector<1x16xf32> to vector<16xf32>
      %add3A_928 = arith.addf %add3A_921, %get3A_927 : vector<16xf32>
      %add3A_929 = arith.constant 19 : i32
      %add3A_930 = arith.addi %mul3A_90, %add3A_929 : i32
      %get3A_931 = arith.index_cast %add3A_930 : i32 to index
      %get3A_932 = arith.constant 80 : index
      %get3A_933 = tpu.vector_load %arg6[%get3A_931, %get3A_932] {strides = array<i32>} : memref<640x128xf32, #tpu.memory_space<vmem>>, vector<1x16xf32>,
      %get3A_934 = vector.shape_cast %get3A_933 : vector<1x16xf32> to vector<16xf32>
      %add3A_935 = arith.addf %add3A_928, %get3A_934 : vector<16xf32>
      %swap3A_936 = arith.index_cast %scan3A_88 : i32 to index
      %swap3A_937 = arith.constant 80 : index
      %swap3A_938 = tpu.vector_load %arg7[%swap3A_936, %swap3A_937] {strides = array<i32>} : memref<32x128xf32, #tpu.memory_space<vmem>>, vector<1x16xf32>,
      %swap3A_939 = vector.shape_cast %swap3A_938 : vector<1x16xf32> to vector<16xf32>
      %swap3A_940 = vector.shape_cast %add3A_935 : vector<16xf32> to vector<1x16xf32>
      tpu.vector_store %arg7[%swap3A_936, %swap3A_937], %swap3A_940 {strides = array<i32>} : memref<32x128xf32, #tpu.memory_space<vmem>>, vector<1x16xf32>,
      %get3A_941 = arith.index_cast %mul3A_90 : i32 to index
      %get3A_942 = arith.constant 96 : index
      %get3A_943 = tpu.vector_load %arg6[%get3A_941, %get3A_942] {strides = array<i32>} : memref<640x128xf32, #tpu.memory_space<vmem>>, vector<1x16xf32>,
      %get3A_944 = vector.shape_cast %get3A_943 : vector<1x16xf32> to vector<16xf32>
      %add3A_945 = arith.constant 1 : i32
      %add3A_946 = arith.addi %mul3A_90, %add3A_945 : i32
      %get3A_947 = arith.index_cast %add3A_946 : i32 to index
      %get3A_948 = arith.constant 96 : index
      %get3A_949 = tpu.vector_load %arg6[%get3A_947, %get3A_948] {strides = array<i32>} : memref<640x128xf32, #tpu.memory_space<vmem>>, vector<1x16xf32>,
      %get3A_950 = vector.shape_cast %get3A_949 : vector<1x16xf32> to vector<16xf32>
      %add3A_951 = arith.addf %get3A_944, %get3A_950 : vector<16xf32>
      %add3A_952 = arith.constant 2 : i32
      %add3A_953 = arith.addi %mul3A_90, %add3A_952 : i32
      %get3A_954 = arith.index_cast %add3A_953 : i32 to index
      %get3A_955 = arith.constant 96 : index
      %get3A_956 = tpu.vector_load %arg6[%get3A_954, %get3A_955] {strides = array<i32>} : memref<640x128xf32, #tpu.memory_space<vmem>>, vector<1x16xf32>,
      %get3A_957 = vector.shape_cast %get3A_956 : vector<1x16xf32> to vector<16xf32>
      %add3A_958 = arith.addf %add3A_951, %get3A_957 : vector<16xf32>
      %add3A_959 = arith.constant 3 : i32
      %add3A_960 = arith.addi %mul3A_90, %add3A_959 : i32
      %get3A_961 = arith.index_cast %add3A_960 : i32 to index
      %get3A_962 = arith.constant 96 : index
      %get3A_963 = tpu.vector_load %arg6[%get3A_961, %get3A_962] {strides = array<i32>} : memref<640x128xf32, #tpu.memory_space<vmem>>, vector<1x16xf32>,
      %get3A_964 = vector.shape_cast %get3A_963 : vector<1x16xf32> to vector<16xf32>
      %add3A_965 = arith.addf %add3A_958, %get3A_964 : vector<16xf32>
      %add3A_966 = arith.constant 4 : i32
      %add3A_967 = arith.addi %mul3A_90, %add3A_966 : i32
      %get3A_968 = arith.index_cast %add3A_967 : i32 to index
      %get3A_969 = arith.constant 96 : index
      %get3A_970 = tpu.vector_load %arg6[%get3A_968, %get3A_969] {strides = array<i32>} : memref<640x128xf32, #tpu.memory_space<vmem>>, vector<1x16xf32>,
      %get3A_971 = vector.shape_cast %get3A_970 : vector<1x16xf32> to vector<16xf32>
      %add3A_972 = arith.addf %add3A_965, %get3A_971 : vector<16xf32>
      %add3A_973 = arith.constant 5 : i32
      %add3A_974 = arith.addi %mul3A_90, %add3A_973 : i32
      %get3A_975 = arith.index_cast %add3A_974 : i32 to index
      %get3A_976 = arith.constant 96 : index
      %get3A_977 = tpu.vector_load %arg6[%get3A_975, %get3A_976] {strides = array<i32>} : memref<640x128xf32, #tpu.memory_space<vmem>>, vector<1x16xf32>,
      %get3A_978 = vector.shape_cast %get3A_977 : vector<1x16xf32> to vector<16xf32>
      %add3A_979 = arith.addf %add3A_972, %get3A_978 : vector<16xf32>
      %add3A_980 = arith.constant 6 : i32
      %add3A_981 = arith.addi %mul3A_90, %add3A_980 : i32
      %get3A_982 = arith.index_cast %add3A_981 : i32 to index
      %get3A_983 = arith.constant 96 : index
      %get3A_984 = tpu.vector_load %arg6[%get3A_982, %get3A_983] {strides = array<i32>} : memref<640x128xf32, #tpu.memory_space<vmem>>, vector<1x16xf32>,
      %get3A_985 = vector.shape_cast %get3A_984 : vector<1x16xf32> to vector<16xf32>
      %add3A_986 = arith.addf %add3A_979, %get3A_985 : vector<16xf32>
      %add3A_987 = arith.constant 7 : i32
      %add3A_988 = arith.addi %mul3A_90, %add3A_987 : i32
      %get3A_989 = arith.index_cast %add3A_988 : i32 to index
      %get3A_990 = arith.constant 96 : index
      %get3A_991 = tpu.vector_load %arg6[%get3A_989, %get3A_990] {strides = array<i32>} : memref<640x128xf32, #tpu.memory_space<vmem>>, vector<1x16xf32>,
      %get3A_992 = vector.shape_cast %get3A_991 : vector<1x16xf32> to vector<16xf32>
      %add3A_993 = arith.addf %add3A_986, %get3A_992 : vector<16xf32>
      %add3A_994 = arith.constant 8 : i32
      %add3A_995 = arith.addi %mul3A_90, %add3A_994 : i32
      %get3A_996 = arith.index_cast %add3A_995 : i32 to index
      %get3A_997 = arith.constant 96 : index
      %get3A_998 = tpu.vector_load %arg6[%get3A_996, %get3A_997] {strides = array<i32>} : memref<640x128xf32, #tpu.memory_space<vmem>>, vector<1x16xf32>,
      %get3A_999 = vector.shape_cast %get3A_998 : vector<1x16xf32> to vector<16xf32>
      %add3A_1000 = arith.addf %add3A_993, %get3A_999 : vector<16xf32>
      %add3A_1001 = arith.constant 9 : i32
      %add3A_1002 = arith.addi %mul3A_90, %add3A_1001 : i32
      %get3A_1003 = arith.index_cast %add3A_1002 : i32 to index
      %get3A_1004 = arith.constant 96 : index
      %get3A_1005 = tpu.vector_load %arg6[%get3A_1003, %get3A_1004] {strides = array<i32>} : memref<640x128xf32, #tpu.memory_space<vmem>>, vector<1x16xf32>,
      %get3A_1006 = vector.shape_cast %get3A_1005 : vector<1x16xf32> to vector<16xf32>
      %add3A_1007 = arith.addf %add3A_1000, %get3A_1006 : vector<16xf32>
      %add3A_1008 = arith.constant 10 : i32
      %add3A_1009 = arith.addi %mul3A_90, %add3A_1008 : i32
      %get3A_1010 = arith.index_cast %add3A_1009 : i32 to index
      %get3A_1011 = arith.constant 96 : index
      %get3A_1012 = tpu.vector_load %arg6[%get3A_1010, %get3A_1011] {strides = array<i32>} : memref<640x128xf32, #tpu.memory_space<vmem>>, vector<1x16xf32>,
      %get3A_1013 = vector.shape_cast %get3A_1012 : vector<1x16xf32> to vector<16xf32>
      %add3A_1014 = arith.addf %add3A_1007, %get3A_1013 : vector<16xf32>
      %add3A_1015 = arith.constant 11 : i32
      %add3A_1016 = arith.addi %mul3A_90, %add3A_1015 : i32
      %get3A_1017 = arith.index_cast %add3A_1016 : i32 to index
      %get3A_1018 = arith.constant 96 : index
      %get3A_1019 = tpu.vector_load %arg6[%get3A_1017, %get3A_1018] {strides = array<i32>} : memref<640x128xf32, #tpu.memory_space<vmem>>, vector<1x16xf32>,
      %get3A_1020 = vector.shape_cast %get3A_1019 : vector<1x16xf32> to vector<16xf32>
      %add3A_1021 = arith.addf %add3A_1014, %get3A_1020 : vector<16xf32>
      %add3A_1022 = arith.constant 12 : i32
      %add3A_1023 = arith.addi %mul3A_90, %add3A_1022 : i32
      %get3A_1024 = arith.index_cast %add3A_1023 : i32 to index
      %get3A_1025 = arith.constant 96 : index
      %get3A_1026 = tpu.vector_load %arg6[%get3A_1024, %get3A_1025] {strides = array<i32>} : memref<640x128xf32, #tpu.memory_space<vmem>>, vector<1x16xf32>,
      %get3A_1027 = vector.shape_cast %get3A_1026 : vector<1x16xf32> to vector<16xf32>
      %add3A_1028 = arith.addf %add3A_1021, %get3A_1027 : vector<16xf32>
      %add3A_1029 = arith.constant 13 : i32
      %add3A_1030 = arith.addi %mul3A_90, %add3A_1029 : i32
      %get3A_1031 = arith.index_cast %add3A_1030 : i32 to index
      %get3A_1032 = arith.constant 96 : index
      %get3A_1033 = tpu.vector_load %arg6[%get3A_1031, %get3A_1032] {strides = array<i32>} : memref<640x128xf32, #tpu.memory_space<vmem>>, vector<1x16xf32>,
      %get3A_1034 = vector.shape_cast %get3A_1033 : vector<1x16xf32> to vector<16xf32>
      %add3A_1035 = arith.addf %add3A_1028, %get3A_1034 : vector<16xf32>
      %add3A_1036 = arith.constant 14 : i32
      %add3A_1037 = arith.addi %mul3A_90, %add3A_1036 : i32
      %get3A_1038 = arith.index_cast %add3A_1037 : i32 to index
      %get3A_1039 = arith.constant 96 : index
      %get3A_1040 = tpu.vector_load %arg6[%get3A_1038, %get3A_1039] {strides = array<i32>} : memref<640x128xf32, #tpu.memory_space<vmem>>, vector<1x16xf32>,
      %get3A_1041 = vector.shape_cast %get3A_1040 : vector<1x16xf32> to vector<16xf32>
      %add3A_1042 = arith.addf %add3A_1035, %get3A_1041 : vector<16xf32>
      %add3A_1043 = arith.constant 15 : i32
      %add3A_1044 = arith.addi %mul3A_90, %add3A_1043 : i32
      %get3A_1045 = arith.index_cast %add3A_1044 : i32 to index
      %get3A_1046 = arith.constant 96 : index
      %get3A_1047 = tpu.vector_load %arg6[%get3A_1045, %get3A_1046] {strides = array<i32>} : memref<640x128xf32, #tpu.memory_space<vmem>>, vector<1x16xf32>,
      %get3A_1048 = vector.shape_cast %get3A_1047 : vector<1x16xf32> to vector<16xf32>
      %add3A_1049 = arith.addf %add3A_1042, %get3A_1048 : vector<16xf32>
      %add3A_1050 = arith.constant 16 : i32
      %add3A_1051 = arith.addi %mul3A_90, %add3A_1050 : i32
      %get3A_1052 = arith.index_cast %add3A_1051 : i32 to index
      %get3A_1053 = arith.constant 96 : index
      %get3A_1054 = tpu.vector_load %arg6[%get3A_1052, %get3A_1053] {strides = array<i32>} : memref<640x128xf32, #tpu.memory_space<vmem>>, vector<1x16xf32>,
      %get3A_1055 = vector.shape_cast %get3A_1054 : vector<1x16xf32> to vector<16xf32>
      %add3A_1056 = arith.addf %add3A_1049, %get3A_1055 : vector<16xf32>
      %add3A_1057 = arith.constant 17 : i32
      %add3A_1058 = arith.addi %mul3A_90, %add3A_1057 : i32
      %get3A_1059 = arith.index_cast %add3A_1058 : i32 to index
      %get3A_1060 = arith.constant 96 : index
      %get3A_1061 = tpu.vector_load %arg6[%get3A_1059, %get3A_1060] {strides = array<i32>} : memref<640x128xf32, #tpu.memory_space<vmem>>, vector<1x16xf32>,
      %get3A_1062 = vector.shape_cast %get3A_1061 : vector<1x16xf32> to vector<16xf32>
      %add3A_1063 = arith.addf %add3A_1056, %get3A_1062 : vector<16xf32>
      %add3A_1064 = arith.constant 18 : i32
      %add3A_1065 = arith.addi %mul3A_90, %add3A_1064 : i32
      %get3A_1066 = arith.index_cast %add3A_1065 : i32 to index
      %get3A_1067 = arith.constant 96 : index
      %get3A_1068 = tpu.vector_load %arg6[%get3A_1066, %get3A_1067] {strides = array<i32>} : memref<640x128xf32, #tpu.memory_space<vmem>>, vector<1x16xf32>,
      %get3A_1069 = vector.shape_cast %get3A_1068 : vector<1x16xf32> to vector<16xf32>
      %add3A_1070 = arith.addf %add3A_1063, %get3A_1069 : vector<16xf32>
      %add3A_1071 = arith.constant 19 : i32
      %add3A_1072 = arith.addi %mul3A_90, %add3A_1071 : i32
      %get3A_1073 = arith.index_cast %add3A_1072 : i32 to index
      %get3A_1074 = arith.constant 96 : index
      %get3A_1075 = tpu.vector_load %arg6[%get3A_1073, %get3A_1074] {strides = array<i32>} : memref<640x128xf32, #tpu.memory_space<vmem>>, vector<1x16xf32>,
      %get3A_1076 = vector.shape_cast %get3A_1075 : vector<1x16xf32> to vector<16xf32>
      %add3A_1077 = arith.addf %add3A_1070, %get3A_1076 : vector<16xf32>
      %swap3A_1078 = arith.index_cast %scan3A_88 : i32 to index
      %swap3A_1079 = arith.constant 96 : index
      %swap3A_1080 = tpu.vector_load %arg7[%swap3A_1078, %swap3A_1079] {strides = array<i32>} : memref<32x128xf32, #tpu.memory_space<vmem>>, vector<1x16xf32>,
      %swap3A_1081 = vector.shape_cast %swap3A_1080 : vector<1x16xf32> to vector<16xf32>
      %swap3A_1082 = vector.shape_cast %add3A_1077 : vector<16xf32> to vector<1x16xf32>
      tpu.vector_store %arg7[%swap3A_1078, %swap3A_1079], %swap3A_1082 {strides = array<i32>} : memref<32x128xf32, #tpu.memory_space<vmem>>, vector<1x16xf32>,
      %get3A_1083 = arith.index_cast %mul3A_90 : i32 to index
      %get3A_1084 = arith.constant 112 : index
      %get3A_1085 = tpu.vector_load %arg6[%get3A_1083, %get3A_1084] {strides = array<i32>} : memref<640x128xf32, #tpu.memory_space<vmem>>, vector<1x16xf32>,
      %get3A_1086 = vector.shape_cast %get3A_1085 : vector<1x16xf32> to vector<16xf32>
      %add3A_1087 = arith.constant 1 : i32
      %add3A_1088 = arith.addi %mul3A_90, %add3A_1087 : i32
      %get3A_1089 = arith.index_cast %add3A_1088 : i32 to index
      %get3A_1090 = arith.constant 112 : index
      %get3A_1091 = tpu.vector_load %arg6[%get3A_1089, %get3A_1090] {strides = array<i32>} : memref<640x128xf32, #tpu.memory_space<vmem>>, vector<1x16xf32>,
      %get3A_1092 = vector.shape_cast %get3A_1091 : vector<1x16xf32> to vector<16xf32>
      %add3A_1093 = arith.addf %get3A_1086, %get3A_1092 : vector<16xf32>
      %add3A_1094 = arith.constant 2 : i32
      %add3A_1095 = arith.addi %mul3A_90, %add3A_1094 : i32
      %get3A_1096 = arith.index_cast %add3A_1095 : i32 to index
      %get3A_1097 = arith.constant 112 : index
      %get3A_1098 = tpu.vector_load %arg6[%get3A_1096, %get3A_1097] {strides = array<i32>} : memref<640x128xf32, #tpu.memory_space<vmem>>, vector<1x16xf32>,
      %get3A_1099 = vector.shape_cast %get3A_1098 : vector<1x16xf32> to vector<16xf32>
      %add3A_1100 = arith.addf %add3A_1093, %get3A_1099 : vector<16xf32>
      %add3A_1101 = arith.constant 3 : i32
      %add3A_1102 = arith.addi %mul3A_90, %add3A_1101 : i32
      %get3A_1103 = arith.index_cast %add3A_1102 : i32 to index
      %get3A_1104 = arith.constant 112 : index
      %get3A_1105 = tpu.vector_load %arg6[%get3A_1103, %get3A_1104] {strides = array<i32>} : memref<640x128xf32, #tpu.memory_space<vmem>>, vector<1x16xf32>,
      %get3A_1106 = vector.shape_cast %get3A_1105 : vector<1x16xf32> to vector<16xf32>
      %add3A_1107 = arith.addf %add3A_1100, %get3A_1106 : vector<16xf32>
      %add3A_1108 = arith.constant 4 : i32
      %add3A_1109 = arith.addi %mul3A_90, %add3A_1108 : i32
      %get3A_1110 = arith.index_cast %add3A_1109 : i32 to index
      %get3A_1111 = arith.constant 112 : index
      %get3A_1112 = tpu.vector_load %arg6[%get3A_1110, %get3A_1111] {strides = array<i32>} : memref<640x128xf32, #tpu.memory_space<vmem>>, vector<1x16xf32>,
      %get3A_1113 = vector.shape_cast %get3A_1112 : vector<1x16xf32> to vector<16xf32>
      %add3A_1114 = arith.addf %add3A_1107, %get3A_1113 : vector<16xf32>
      %add3A_1115 = arith.constant 5 : i32
      %add3A_1116 = arith.addi %mul3A_90, %add3A_1115 : i32
      %get3A_1117 = arith.index_cast %add3A_1116 : i32 to index
      %get3A_1118 = arith.constant 112 : index
      %get3A_1119 = tpu.vector_load %arg6[%get3A_1117, %get3A_1118] {strides = array<i32>} : memref<640x128xf32, #tpu.memory_space<vmem>>, vector<1x16xf32>,
      %get3A_1120 = vector.shape_cast %get3A_1119 : vector<1x16xf32> to vector<16xf32>
      %add3A_1121 = arith.addf %add3A_1114, %get3A_1120 : vector<16xf32>
      %add3A_1122 = arith.constant 6 : i32
      %add3A_1123 = arith.addi %mul3A_90, %add3A_1122 : i32
      %get3A_1124 = arith.index_cast %add3A_1123 : i32 to index
      %get3A_1125 = arith.constant 112 : index
      %get3A_1126 = tpu.vector_load %arg6[%get3A_1124, %get3A_1125] {strides = array<i32>} : memref<640x128xf32, #tpu.memory_space<vmem>>, vector<1x16xf32>,
      %get3A_1127 = vector.shape_cast %get3A_1126 : vector<1x16xf32> to vector<16xf32>
      %add3A_1128 = arith.addf %add3A_1121, %get3A_1127 : vector<16xf32>
      %add3A_1129 = arith.constant 7 : i32
      %add3A_1130 = arith.addi %mul3A_90, %add3A_1129 : i32
      %get3A_1131 = arith.index_cast %add3A_1130 : i32 to index
      %get3A_1132 = arith.constant 112 : index
      %get3A_1133 = tpu.vector_load %arg6[%get3A_1131, %get3A_1132] {strides = array<i32>} : memref<640x128xf32, #tpu.memory_space<vmem>>, vector<1x16xf32>,
      %get3A_1134 = vector.shape_cast %get3A_1133 : vector<1x16xf32> to vector<16xf32>
      %add3A_1135 = arith.addf %add3A_1128, %get3A_1134 : vector<16xf32>
      %add3A_1136 = arith.constant 8 : i32
      %add3A_1137 = arith.addi %mul3A_90, %add3A_1136 : i32
      %get3A_1138 = arith.index_cast %add3A_1137 : i32 to index
      %get3A_1139 = arith.constant 112 : index
      %get3A_1140 = tpu.vector_load %arg6[%get3A_1138, %get3A_1139] {strides = array<i32>} : memref<640x128xf32, #tpu.memory_space<vmem>>, vector<1x16xf32>,
      %get3A_1141 = vector.shape_cast %get3A_1140 : vector<1x16xf32> to vector<16xf32>
      %add3A_1142 = arith.addf %add3A_1135, %get3A_1141 : vector<16xf32>
      %add3A_1143 = arith.constant 9 : i32
      %add3A_1144 = arith.addi %mul3A_90, %add3A_1143 : i32
      %get3A_1145 = arith.index_cast %add3A_1144 : i32 to index
      %get3A_1146 = arith.constant 112 : index
      %get3A_1147 = tpu.vector_load %arg6[%get3A_1145, %get3A_1146] {strides = array<i32>} : memref<640x128xf32, #tpu.memory_space<vmem>>, vector<1x16xf32>,
      %get3A_1148 = vector.shape_cast %get3A_1147 : vector<1x16xf32> to vector<16xf32>
      %add3A_1149 = arith.addf %add3A_1142, %get3A_1148 : vector<16xf32>
      %add3A_1150 = arith.constant 10 : i32
      %add3A_1151 = arith.addi %mul3A_90, %add3A_1150 : i32
      %get3A_1152 = arith.index_cast %add3A_1151 : i32 to index
      %get3A_1153 = arith.constant 112 : index
      %get3A_1154 = tpu.vector_load %arg6[%get3A_1152, %get3A_1153] {strides = array<i32>} : memref<640x128xf32, #tpu.memory_space<vmem>>, vector<1x16xf32>,
      %get3A_1155 = vector.shape_cast %get3A_1154 : vector<1x16xf32> to vector<16xf32>
      %add3A_1156 = arith.addf %add3A_1149, %get3A_1155 : vector<16xf32>
      %add3A_1157 = arith.constant 11 : i32
      %add3A_1158 = arith.addi %mul3A_90, %add3A_1157 : i32
      %get3A_1159 = arith.index_cast %add3A_1158 : i32 to index
      %get3A_1160 = arith.constant 112 : index
      %get3A_1161 = tpu.vector_load %arg6[%get3A_1159, %get3A_1160] {strides = array<i32>} : memref<640x128xf32, #tpu.memory_space<vmem>>, vector<1x16xf32>,
      %get3A_1162 = vector.shape_cast %get3A_1161 : vector<1x16xf32> to vector<16xf32>
      %add3A_1163 = arith.addf %add3A_1156, %get3A_1162 : vector<16xf32>
      %add3A_1164 = arith.constant 12 : i32
      %add3A_1165 = arith.addi %mul3A_90, %add3A_1164 : i32
      %get3A_1166 = arith.index_cast %add3A_1165 : i32 to index
      %get3A_1167 = arith.constant 112 : index
      %get3A_1168 = tpu.vector_load %arg6[%get3A_1166, %get3A_1167] {strides = array<i32>} : memref<640x128xf32, #tpu.memory_space<vmem>>, vector<1x16xf32>,
      %get3A_1169 = vector.shape_cast %get3A_1168 : vector<1x16xf32> to vector<16xf32>
      %add3A_1170 = arith.addf %add3A_1163, %get3A_1169 : vector<16xf32>
      %add3A_1171 = arith.constant 13 : i32
      %add3A_1172 = arith.addi %mul3A_90, %add3A_1171 : i32
      %get3A_1173 = arith.index_cast %add3A_1172 : i32 to index
      %get3A_1174 = arith.constant 112 : index
      %get3A_1175 = tpu.vector_load %arg6[%get3A_1173, %get3A_1174] {strides = array<i32>} : memref<640x128xf32, #tpu.memory_space<vmem>>, vector<1x16xf32>,
      %get3A_1176 = vector.shape_cast %get3A_1175 : vector<1x16xf32> to vector<16xf32>
      %add3A_1177 = arith.addf %add3A_1170, %get3A_1176 : vector<16xf32>
      %add3A_1178 = arith.constant 14 : i32
      %add3A_1179 = arith.addi %mul3A_90, %add3A_1178 : i32
      %get3A_1180 = arith.index_cast %add3A_1179 : i32 to index
      %get3A_1181 = arith.constant 112 : index
      %get3A_1182 = tpu.vector_load %arg6[%get3A_1180, %get3A_1181] {strides = array<i32>} : memref<640x128xf32, #tpu.memory_space<vmem>>, vector<1x16xf32>,
      %get3A_1183 = vector.shape_cast %get3A_1182 : vector<1x16xf32> to vector<16xf32>
      %add3A_1184 = arith.addf %add3A_1177, %get3A_1183 : vector<16xf32>
      %add3A_1185 = arith.constant 15 : i32
      %add3A_1186 = arith.addi %mul3A_90, %add3A_1185 : i32
      %get3A_1187 = arith.index_cast %add3A_1186 : i32 to index
      %get3A_1188 = arith.constant 112 : index
      %get3A_1189 = tpu.vector_load %arg6[%get3A_1187, %get3A_1188] {strides = array<i32>} : memref<640x128xf32, #tpu.memory_space<vmem>>, vector<1x16xf32>,
      %get3A_1190 = vector.shape_cast %get3A_1189 : vector<1x16xf32> to vector<16xf32>
      %add3A_1191 = arith.addf %add3A_1184, %get3A_1190 : vector<16xf32>
      %add3A_1192 = arith.constant 16 : i32
      %add3A_1193 = arith.addi %mul3A_90, %add3A_1192 : i32
      %get3A_1194 = arith.index_cast %add3A_1193 : i32 to index
      %get3A_1195 = arith.constant 112 : index
      %get3A_1196 = tpu.vector_load %arg6[%get3A_1194, %get3A_1195] {strides = array<i32>} : memref<640x128xf32, #tpu.memory_space<vmem>>, vector<1x16xf32>,
      %get3A_1197 = vector.shape_cast %get3A_1196 : vector<1x16xf32> to vector<16xf32>
      %add3A_1198 = arith.addf %add3A_1191, %get3A_1197 : vector<16xf32>
      %add3A_1199 = arith.constant 17 : i32
      %add3A_1200 = arith.addi %mul3A_90, %add3A_1199 : i32
      %get3A_1201 = arith.index_cast %add3A_1200 : i32 to index
      %get3A_1202 = arith.constant 112 : index
      %get3A_1203 = tpu.vector_load %arg6[%get3A_1201, %get3A_1202] {strides = array<i32>} : memref<640x128xf32, #tpu.memory_space<vmem>>, vector<1x16xf32>,
      %get3A_1204 = vector.shape_cast %get3A_1203 : vector<1x16xf32> to vector<16xf32>
      %add3A_1205 = arith.addf %add3A_1198, %get3A_1204 : vector<16xf32>
      %add3A_1206 = arith.constant 18 : i32
      %add3A_1207 = arith.addi %mul3A_90, %add3A_1206 : i32
      %get3A_1208 = arith.index_cast %add3A_1207 : i32 to index
      %get3A_1209 = arith.constant 112 : index
      %get3A_1210 = tpu.vector_load %arg6[%get3A_1208, %get3A_1209] {strides = array<i32>} : memref<640x128xf32, #tpu.memory_space<vmem>>, vector<1x16xf32>,
      %get3A_1211 = vector.shape_cast %get3A_1210 : vector<1x16xf32> to vector<16xf32>
      %add3A_1212 = arith.addf %add3A_1205, %get3A_1211 : vector<16xf32>
      %add3A_1213 = arith.constant 19 : i32
      %add3A_1214 = arith.addi %mul3A_90, %add3A_1213 : i32
      %get3A_1215 = arith.index_cast %add3A_1214 : i32 to index
      %get3A_1216 = arith.constant 112 : index
      %get3A_1217 = tpu.vector_load %arg6[%get3A_1215, %get3A_1216] {strides = array<i32>} : memref<640x128xf32, #tpu.memory_space<vmem>>, vector<1x16xf32>,
      %get3A_1218 = vector.shape_cast %get3A_1217 : vector<1x16xf32> to vector<16xf32>
      %add3A_1219 = arith.addf %add3A_1212, %get3A_1218 : vector<16xf32>
      %swap3A_1220 = arith.index_cast %scan3A_88 : i32 to index
      %swap3A_1221 = arith.constant 112 : index
      %swap3A_1222 = tpu.vector_load %arg7[%swap3A_1220, %swap3A_1221] {strides = array<i32>} : memref<32x128xf32, #tpu.memory_space<vmem>>, vector<1x16xf32>,
      %swap3A_1223 = vector.shape_cast %swap3A_1222 : vector<1x16xf32> to vector<16xf32>
      %swap3A_1224 = vector.shape_cast %add3A_1219 : vector<16xf32> to vector<1x16xf32>
      tpu.vector_store %arg7[%swap3A_1220, %swap3A_1221], %swap3A_1224 {strides = array<i32>} : memref<32x128xf32, #tpu.memory_space<vmem>>, vector<1x16xf32>,
    }
    %scan3A_85 = arith.constant 32 : i32
    %mul3A_86 = arith.constant 32 : i32
    %mul3A_87 = arith.muli %add3A, %mul3A_86 : i32
    "tpu.region"() ({
      %run_scoped3A = tpu.sem_alloc : memref<!tpu.dma_semaphore, #tpu.memory_space<semaphore_mem>>
      %dma_start3A_88 = arith.constant 0 : i32
      %dma_start3A_89 = tpu.memref_slice %arg4[%mul3A_87, %dma_start3A_88] : memref<1024x128xf32, #tpu.memory_space<hbm>> -> memref<32x128xf32, #tpu.memory_space<hbm>>
      %dma_start3A_90 = arith.constant 0 : i32
      %dma_start3A_91 = tpu.memref_slice %arg4[%mul3A_87, %dma_start3A_90] : memref<1024x128xf32, #tpu.memory_space<hbm>> -> memref<32x128xf32, #tpu.memory_space<hbm>>
      tpu.enqueue_dma source(%arg7 : memref<32x128xf32, #tpu.memory_space<vmem>>) target(%dma_start3A_91 : memref<32x128xf32, #tpu.memory_space<hbm>>) target_semaphore(%run_scoped3A : memref<!tpu.dma_semaphore, #tpu.memory_space<semaphore_mem>>)
      %dma_wait3A_92 = arith.constant 0 : i32
      %dma_wait3A_93 = tpu.memref_slice %arg4[%mul3A_87, %dma_wait3A_92] : memref<1024x128xf32, #tpu.memory_space<hbm>> -> memref<32x128xf32, #tpu.memory_space<hbm>>
      %dma_wait3A_94 = arith.constant 0 : i32
      %dma_wait3A_95 = tpu.memref_slice %arg4[%mul3A_87, %dma_wait3A_94] : memref<1024x128xf32, #tpu.memory_space<hbm>> -> memref<32x128xf32, #tpu.memory_space<hbm>>
      tpu.wait_dma2 semaphore(%run_scoped3A : memref<!tpu.dma_semaphore, #tpu.memory_space<semaphore_mem>>) src(%arg7 : memref<32x128xf32, #tpu.memory_space<vmem>>) dst(%dma_wait3A_95 : memref<32x128xf32, #tpu.memory_space<hbm>>)
      tpu.yield
    }) : () -> ()
    return
  }
}

module attributes {stable_mosaic.version = 14 : i64} {
  func.func @_pad_body(%arg0: i32, %arg1: memref<10000x100xf32, #tpu.memory_space<vmem>>, %arg2: memref<10000x128xf32, #tpu.memory_space<vmem>>) attributes {dimension_semantics = [#tpu.dimension_semantics<arbitrary>], iteration_bounds = array<i64: 10>, scalar_prefetch = 0 : i64, scratch_operands = 0 : i64, tpu.core_type = #tpu.core_type<tc>, window_params = [{transform_indices = @transform_0, window_bounds = array<i64: 10000, 100>}, {transform_indices = @transform_1, window_bounds = array<i64: 10000, 128>}]} {
    %get3A = arith.constant 0 : index
    %get3A_0 = arith.constant 0 : index
    %get3A_1 = vector.load %arg1[%get3A, %get3A_0] : memref<10000x100xf32, #tpu.memory_space<vmem>>, vector<10000x100xf32>
    %broadcast_in_dim3A = arith.constant 0.000000e+00 : f32
    %broadcast_in_dim3A_2 = vector.broadcast %broadcast_in_dim3A : f32 to vector<10000x28xf32>
    %concatenate3A = tpu.concatenate %get3A_1, %broadcast_in_dim3A_2 in 1 : vector<10000x100xf32>, vector<10000x28xf32> -> vector<10000x128xf32>
    %swap3A = arith.constant 0 : index
    %swap3A_3 = arith.constant 0 : index
    %swap3A_4 = vector.load %arg2[%swap3A, %swap3A_3] : memref<10000x128xf32, #tpu.memory_space<vmem>>, vector<10000x128xf32>
    tpu.vector_store %arg2[%swap3A, %swap3A_3], %concatenate3A {strides = array<i32>} : memref<10000x128xf32, #tpu.memory_space<vmem>>, vector<10000x128xf32>,
    return
  }
  func.func @transform_0(%arg0: i32) -> (i32, i32) {
    %c0_i32 = arith.constant 0 : i32
    %c0_i32_0 = arith.constant 0 : i32
    return %arg0, %c0_i32 : i32, i32
  }
  func.func @transform_1(%arg0: i32) -> (i32, i32) {
    %c0_i32 = arith.constant 0 : i32
    %c0_i32_0 = arith.constant 0 : i32
    return %arg0, %c0_i32 : i32, i32
  }
}

module attributes {stable_mosaic.version = 14 : i64} {
  func.func @_out_body(%arg0: i32, %arg1: memref<32x100xf32, #tpu.memory_space<vmem>>, %arg2: memref<100x100000xbf16, #tpu.memory_space<vmem>>, %arg3: memref<1x100000xf32, #tpu.memory_space<vmem>>, %arg4: memref<32x1xf32, #tpu.memory_space<vmem>>, %arg5: memref<32x100000xf32, #tpu.memory_space<vmem>>) attributes {dimension_semantics = [#tpu.dimension_semantics<arbitrary>], iteration_bounds = array<i64: 32>, scalar_prefetch = 0 : i64, scratch_operands = 0 : i64, tpu.core_type = #tpu.core_type<tc>, window_params = [{transform_indices = @transform_0, window_bounds = array<i64: 32, 100>}, {pipeline_mode = #tpu.pipeline_mode<synchronous>, transform_indices = @transform_1, window_bounds = array<i64: 100, 100000>}, {pipeline_mode = #tpu.pipeline_mode<synchronous>, transform_indices = @transform_2, window_bounds = array<i64: 1, 100000>}, {transform_indices = @transform_3, window_bounds = array<i64: 32, 1>}, {transform_indices = @transform_4, window_bounds = array<i64: 32, 100000>}]} {
    %get3A = arith.constant 0 : index
    %get3A_0 = arith.constant 0 : index
    %get3A_1 = vector.load %arg1[%get3A, %get3A_0] : memref<32x100xf32, #tpu.memory_space<vmem>>, vector<32x100xf32>
    %convert_element_type3A = arith.truncf %get3A_1 : vector<32x100xf32> to vector<32x100xbf16>
    %get3A_2 = arith.constant 0 : index
    %get3A_3 = arith.constant 0 : index
    %get3A_4 = vector.load %arg2[%get3A_2, %get3A_3] : memref<100x100000xbf16, #tpu.memory_space<vmem>>, vector<100x100000xbf16>
    %dot_general3A = arith.constant dense<0.000000e+00> : vector<32x100000xf32>
    %dot_general3A_5 = tpu.matmul %convert_element_type3A, %get3A_4, %dot_general3A {dimension_numbers = #tpu.dot_dimension_numbers<[1], [0], [0], [1], [0, 0, 1, 1], [], []>, transpose_lhs_hint = false} : vector<32x100xbf16>, vector<100x100000xbf16>, vector<32x100000xf32> -> vector<32x100000xf32>
    %get3A_6 = arith.constant 0 : index
    %get3A_7 = arith.constant 0 : index
    %get3A_8 = vector.load %arg3[%get3A_6, %get3A_7] : memref<1x100000xf32, #tpu.memory_space<vmem>>, vector<1x100000xf32>
    %add3A = vector.broadcast %get3A_8 : vector<1x100000xf32> to vector<32x100000xf32>
    %add3A_9 = arith.addf %dot_general3A_5, %add3A : vector<32x100000xf32>
    %get3A_10 = arith.constant 0 : index
    %get3A_11 = arith.constant 0 : index
    %get3A_12 = vector.load %arg4[%get3A_10, %get3A_11] : memref<32x1xf32, #tpu.memory_space<vmem>>, vector<32x1xf32>
    %sub3A = vector.broadcast %get3A_12 : vector<32x1xf32> to vector<32x100000xf32>
    %sub3A_13 = arith.subf %add3A_9, %sub3A : vector<32x100000xf32>
    %swap3A = arith.constant 0 : index
    %swap3A_14 = arith.constant 0 : index
    %swap3A_15 = vector.load %arg5[%swap3A, %swap3A_14] : memref<32x100000xf32, #tpu.memory_space<vmem>>, vector<32x100000xf32>
    tpu.vector_store %arg5[%swap3A, %swap3A_14], %sub3A_13 {strides = array<i32>} : memref<32x100000xf32, #tpu.memory_space<vmem>>, vector<32x100000xf32>,
    return
  }
  func.func @transform_0(%arg0: i32) -> (i32, i32) {
    %c0_i32 = arith.constant 0 : i32
    %c0_i32_0 = arith.constant 0 : i32
    return %arg0, %c0_i32 : i32, i32
  }
  func.func @transform_1(%arg0: i32) -> (i32, i32) {
    %c0_i32 = arith.constant 0 : i32
    %c0_i32_0 = arith.constant 0 : i32
    %c0_i32_1 = arith.constant 0 : i32
    return %c0_i32, %c0_i32_0 : i32, i32
  }
  func.func @transform_2(%arg0: i32) -> (i32, i32) {
    %c0_i32 = arith.constant 0 : i32
    %c0_i32_0 = arith.constant 0 : i32
    %c0_i32_1 = arith.constant 0 : i32
    return %c0_i32, %c0_i32_0 : i32, i32
  }
  func.func @transform_3(%arg0: i32) -> (i32, i32) {
    %c0_i32 = arith.constant 0 : i32
    %c0_i32_0 = arith.constant 0 : i32
    return %arg0, %c0_i32 : i32, i32
  }
  func.func @transform_4(%arg0: i32) -> (i32, i32) {
    %c0_i32 = arith.constant 0 : i32
    %c0_i32_0 = arith.constant 0 : i32
    return %arg0, %c0_i32 : i32, i32
  }
}

module attributes {stable_mosaic.version = 14 : i64} {
  func.func @_logz_body(%arg0: i32, %arg1: memref<1024x100xf32, #tpu.memory_space<vmem>>, %arg2: memref<2048x100xf32, #tpu.memory_space<vmem>>, %arg3: memref<1x2048xf32, #tpu.memory_space<vmem>>, %arg4: memref<1024x1xf32, #tpu.memory_space<vmem>>, %arg5: memref<100x2048xbf16, #tpu.memory_space<vmem>>, %arg6: memref<1024x1xf32, #tpu.memory_space<vmem>>) attributes {dimension_semantics = [#tpu.dimension_semantics<arbitrary>], iteration_bounds = array<i64: 49>, scalar_prefetch = 0 : i64, scratch_operands = 1 : i64, tpu.core_type = #tpu.core_type<tc>, window_params = [{pipeline_mode = #tpu.pipeline_mode<synchronous>, transform_indices = @transform_0, window_bounds = array<i64: 1024, 100>}, {transform_indices = @transform_1, window_bounds = array<i64: 2048, 100>}, {transform_indices = @transform_2, window_bounds = array<i64: 1, 2048>}, {pipeline_mode = #tpu.pipeline_mode<synchronous>, transform_indices = @transform_3, window_bounds = array<i64: 1024, 1>}, {transform_indices = @transform_4, window_bounds = array<i64: 100, 2048>}]} {
    %eq3A = arith.constant 0 : i32
    %eq3A_0 = arith.cmpi eq, %arg0, %eq3A : i32
    %convert_element_type3A = arith.extui %eq3A_0 : i1 to i32
    %cond3A = arith.constant 0 : i32
    %cond3A_1 = arith.cmpi ne, %convert_element_type3A, %cond3A : i32
    scf.if %cond3A_1 {
      %broadcast_in_dim3A_37 = arith.constant 0.000000e+00 : f32
      %broadcast_in_dim3A_38 = vector.broadcast %broadcast_in_dim3A_37 : f32 to vector<1024x1xf32>
      %swap3A_39 = arith.constant 0 : index
      %swap3A_40 = arith.constant 0 : index
      %swap3A_41 = vector.load %arg6[%swap3A_39, %swap3A_40] : memref<1024x1xf32, #tpu.memory_space<vmem>>, vector<1024x1xf32>
      tpu.vector_store %arg6[%swap3A_39, %swap3A_40], %broadcast_in_dim3A_38 {strides = array<i32>} : memref<1024x1xf32, #tpu.memory_space<vmem>>, vector<1024x1xf32>,
    } else {
    }
    %get3A = arith.constant 0 : index
    %get3A_2 = arith.constant 0 : index
    %get3A_3 = vector.load %arg2[%get3A, %get3A_2] : memref<2048x100xf32, #tpu.memory_space<vmem>>, vector<2048x100xf32>
    %convert_element_type3A_4 = arith.truncf %get3A_3 : vector<2048x100xf32> to vector<2048x100xbf16>
    %transpose3A = tpu.transpose %convert_element_type3A_4, [1, 0] : vector<2048x100xbf16> -> vector<100x2048xbf16>
    %swap3A = arith.constant 0 : index
    %swap3A_5 = arith.constant 0 : index
    %swap3A_6 = vector.load %arg5[%swap3A, %swap3A_5] : memref<100x2048xbf16, #tpu.memory_space<vmem>>, vector<100x2048xbf16>
    tpu.vector_store %arg5[%swap3A, %swap3A_5], %transpose3A {strides = array<i32>} : memref<100x2048xbf16, #tpu.memory_space<vmem>>, vector<100x2048xbf16>,
    %get3A_7 = arith.constant 0 : index
    %get3A_8 = arith.constant 0 : index
    %get3A_9 = vector.load %arg1[%get3A_7, %get3A_8] : memref<1024x100xf32, #tpu.memory_space<vmem>>, vector<1024x100xf32>
    %convert_element_type3A_10 = arith.truncf %get3A_9 : vector<1024x100xf32> to vector<1024x100xbf16>
    %dot_general3A = arith.constant dense<0.000000e+00> : vector<1024x2048xf32>
    %dot_general3A_11 = tpu.matmul %convert_element_type3A_10, %transpose3A, %dot_general3A {dimension_numbers = #tpu.dot_dimension_numbers<[1], [0], [0], [1], [0, 0, 1, 1], [], []>, transpose_lhs_hint = false} : vector<1024x100xbf16>, vector<100x2048xbf16>, vector<1024x2048xf32> -> vector<1024x2048xf32>
    %get3A_12 = arith.constant 0 : index
    %get3A_13 = arith.constant 0 : index
    %get3A_14 = vector.load %arg3[%get3A_12, %get3A_13] : memref<1x2048xf32, #tpu.memory_space<vmem>>, vector<1x2048xf32>
    %add3A = vector.broadcast %get3A_14 : vector<1x2048xf32> to vector<1024x2048xf32>
    %add3A_15 = arith.addf %dot_general3A_11, %add3A : vector<1024x2048xf32>
    %mul3A = arith.constant 2048 : i32
    %mul3A_16 = arith.muli %arg0, %mul3A : i32
    %iota3A = tpu.iota {dimensions = array<i32: 1>} : vector<1x2048xi32>
    %add3A_17 = vector.broadcast %mul3A_16 : i32 to vector<1x2048xi32>
    %add3A_18 = arith.addi %add3A_17, %iota3A : vector<1x2048xi32>
    %lt3A = arith.constant 100000 : i32
    %lt3A_19 = vector.broadcast %lt3A : i32 to vector<1x2048xi32>
    %lt3A_20 = arith.cmpi slt, %add3A_18, %lt3A_19 : vector<1x2048xi32>
    %jit3A = arith.constant 0xFF800000 : f32
    %broadcast_in_dim3A = vector.shape_cast %lt3A_20 : vector<1x2048xi1> to vector<1x2048xi1>
    %broadcast_in_dim3A_21 = vector.broadcast %broadcast_in_dim3A : vector<1x2048xi1> to vector<1024x2048xi1>
    %broadcast_in_dim3A_22 = vector.broadcast %jit3A : f32 to vector<1024x2048xf32>
    %select_n3A = arith.select %broadcast_in_dim3A_21, %add3A_15, %broadcast_in_dim3A_22 : vector<1024x2048xi1>, vector<1024x2048xf32>
    %get3A_23 = arith.constant 0 : index
    %get3A_24 = arith.constant 0 : index
    %get3A_25 = vector.load %arg6[%get3A_23, %get3A_24] : memref<1024x1xf32, #tpu.memory_space<vmem>>, vector<1024x1xf32>
    %exp3A = math.exp %select_n3A : vector<1024x2048xf32>
    %reduce_sum3A = arith.constant dense<0.000000e+00> : vector<1024xf32>
    %reduce_sum3A_26 = vector.multi_reduction <add>, %exp3A, %reduce_sum3A [1] : vector<1024x2048xf32> to vector<1024xf32>
    %broadcast_in_dim3A_27 = vector.shape_cast %reduce_sum3A_26 : vector<1024xf32> to vector<1024x1xf32>
    %add3A_28 = arith.addf %get3A_25, %broadcast_in_dim3A_27 : vector<1024x1xf32>
    %swap3A_29 = arith.constant 0 : index
    %swap3A_30 = arith.constant 0 : index
    %swap3A_31 = vector.load %arg6[%swap3A_29, %swap3A_30] : memref<1024x1xf32, #tpu.memory_space<vmem>>, vector<1024x1xf32>
    tpu.vector_store %arg6[%swap3A_29, %swap3A_30], %add3A_28 {strides = array<i32>} : memref<1024x1xf32, #tpu.memory_space<vmem>>, vector<1024x1xf32>,
    %eq3A_32 = arith.constant 48 : i32
    %eq3A_33 = arith.cmpi eq, %arg0, %eq3A_32 : i32
    %convert_element_type3A_34 = arith.extui %eq3A_33 : i1 to i32
    %cond3A_35 = arith.constant 0 : i32
    %cond3A_36 = arith.cmpi ne, %convert_element_type3A_34, %cond3A_35 : i32
    scf.if %cond3A_36 {
      %get3A_37 = arith.constant 0 : index
      %get3A_38 = arith.constant 0 : index
      %get3A_39 = vector.load %arg6[%get3A_37, %get3A_38] : memref<1024x1xf32, #tpu.memory_space<vmem>>, vector<1024x1xf32>
      %log3A = math.log %get3A_39 : vector<1024x1xf32>
      %swap3A_40 = arith.constant 0 : index
      %swap3A_41 = arith.constant 0 : index
      %swap3A_42 = vector.load %arg4[%swap3A_40, %swap3A_41] : memref<1024x1xf32, #tpu.memory_space<vmem>>, vector<1024x1xf32>
      tpu.vector_store %arg4[%swap3A_40, %swap3A_41], %log3A {strides = array<i32>} : memref<1024x1xf32, #tpu.memory_space<vmem>>, vector<1024x1xf32>,
    } else {
    }
    return
  }
  func.func @transform_0(%arg0: i32) -> (i32, i32) {
    %c0_i32 = arith.constant 0 : i32
    %c0_i32_0 = arith.constant 0 : i32
    %c0_i32_1 = arith.constant 0 : i32
    return %c0_i32, %c0_i32_0 : i32, i32
  }
  func.func @transform_1(%arg0: i32) -> (i32, i32) {
    %c0_i32 = arith.constant 0 : i32
    %c0_i32_0 = arith.constant 0 : i32
    return %arg0, %c0_i32 : i32, i32
  }
  func.func @transform_2(%arg0: i32) -> (i32, i32) {
    %c0_i32 = arith.constant 0 : i32
    %c0_i32_0 = arith.constant 0 : i32
    return %c0_i32, %arg0 : i32, i32
  }
  func.func @transform_3(%arg0: i32) -> (i32, i32) {
    %c0_i32 = arith.constant 0 : i32
    %c0_i32_0 = arith.constant 0 : i32
    %c0_i32_1 = arith.constant 0 : i32
    return %c0_i32, %c0_i32_0 : i32, i32
  }
  func.func @transform_4(%arg0: i32) -> (i32, i32) {
    %c0_i32 = arith.constant 0 : i32
    %c0_i32_0 = arith.constant 0 : i32
    return %c0_i32, %arg0 : i32, i32
  }
}

</mosaic_0001>

<sc_bundles>
// kernel: kernel.6.cloned.1.call-start
scs
__scs_entry_jumppad:
0x0: {  	(pc) =	sbr.rel $0x88, $3  }
0x1: {  	(tag) =	ssettag $0x0;
	lr =	simm.s32 $0x1  }
0x2: {  	[smem:$0x3F9D] =	sst lr;
	_ =	strace $0xD0000000  }
0x3: {  	_ = 	snop  }
0x4: {  	_ = 	snop  }
0x5: {  	_ = 	snop  }
0x6: {  	_ = 	snop  }
0x7: {  	_ = 	snop  }
__scs_overlays_trampoline_lowered:
0x8: {  	[smem:$0x3FAC] =	sst s0  }
0x9: {  	[smem:$0x3FAD] =	sst s1  }
0xa: {  	[smem:$0x3FAE] =	sst s2  }
0xb: {  	[smem:$0x3FAF] =	sst s3  }
0xc: {  	[smem:$0x3FB0] =	sst s4  }
0xd: {  	[smem:$0x3FB1] =	sst s5  }
0xe: {  	[smem:$0x3FB2] =	sst s6  }
0xf: {  	[smem:$0x3FB3] =	sst s7  }
0x10: {  	[smem:$0x3FB4] =	sst s8  }
0x11: {  	[smem:$0x3FB5] =	sst s9;
	s0 =	simm.s32 @!p0 $0x0  }
0x12: {  	s1 =	sld [smem:$0x3F9B];
	s0 =	simm.s32 @p0 $0x1  }
0x13: {  	[smem:$0x3FB6] =	sst s0;
	s0 =	simm.s32 @!p1 $0x0  }
0x14: {  	s2 =	sld [smem:$0x3F9A];
	s0 =	simm.s32 @p1 $0x1  }
0x15: {  	[smem:$0x3FB7] =	sst s0;
	s0 =	simm.s32 @!p2 $0x0  }
0x16: {  	s3 =	sld [smem:$0x3FDB];
	s0 =	simm.s32 @p2 $0x1  }
0x17: {  	s4 =	simm.s32 $0x1BF5;
	[smem:$0x3FB9] =	sst s0  }
0x18: {  	s0 =	sld [smem:$0x3F9C];
	_ =	swait.ge [sflag:s4], $0x0  }
0x19: {  	s7 =	sld [smem:$0x3F9D]  }
0x1a: {  	s8 =	sadd.s32 $0xFFFFE003, lr  }
0x1b: {  	s9 =	sadd.s32 $0xFFFFFEF7, lr;
	s5 =	simm.s32 $0xFFFFFFFF;
	p2 =	slt.u32 s8, $0xFFFFF086  }
0x1c: {  	p1 =	slt.u32 s9, $0xF7A;
	s5 =	simm.s32 @!p2 $0x0  }
0x1d: {  	s5 =	simm.s32 @p1 $0x1;
	p0 =	seq.s32 s7, s2  }
0x1e: {  	s7 =	smul.u32 @!p0 $0xF7A, s2;
	p2 =	seq.s32 @!p0 s5, $0x0  }
0x1f: {  	s9 =	smul.u32 $0xF7A, s1;
	s8 =	simm.s32 @!p0 $0x1BF5;
	p2 =	por !p2, p0  }
0x20: {  	[sflag:s8] =	ssyncset.s32 @!p0 $0xFFFFF086;
	s6 =	sadd.s32 @!p0 s3, s7;
	s7 =	simm.s32 @!p0 $0x108  }
0x21: {  	s3 =	sadd.s32 s3, s9;
	s6 =	sadd.s32 @!p0 $0x88, s6;
	s7 =	simm.s32 @p2 $0x1082  }
0x22: {  	[simem:s7], [sflag:s8] =	dma.local @!p0 [hbm:s6], $0xF7A  }
0x23: {  	s9 =	sor.u32 $0xD0000000, s2;
	s6 =	simm.s32 $0x108;
	_ =	swait.ge @!p0 [sflag:s8], $0x0  }
0x24: {  	s3 =	sadd.s32 $0x88, s3;
	s6 =	simm.s32 @!p1 $0x1082;
	[sflag:s4] =	ssyncset.s32 $0xFFFFF086  }
0x25: {  	[simem:s6], [sflag:s4] =	dma.local [hbm:s3], $0xF7A  }
0x26: {  	[smem:$0x3F9D] =	sst s1;
	(tag) =	ssettag s2;
	_ =	strace s9  }
0x27: {  	s1 =	sld [smem:$0x3FAD]  }
0x28: {  	s2 =	sld [smem:$0x3FAE]  }
0x29: {  	s4 =	sld [smem:$0x3FB0]  }
0x2a: {  	p0 =	seq.s32 s5, $0x0;
	s5 =	sld [smem:$0x3FB1]  }
0x2b: {  	s6 =	sld [smem:$0x3FB2]  }
0x2c: {  	s7 =	sld [smem:$0x3FB3]  }
0x2d: {  	s3 =	simm.s32 $0x108;
	s8 =	sld [smem:$0x3FB4]  }
0x2e: {  	s3 =	simm.s32 @!p0 $0x1082;
	s9 =	sld [smem:$0x3FB5]  }
0x2f: {  	lr =	sadd.s32 s0, s3;
	s0 =	sld [smem:$0x3FAC]  }
0x30: {  	s3 =	sld [smem:$0x3FAF]  }
0x31: {  	[smem:$0x3FB8] =	sst s10  }
0x32: {  	s10 =	sld [smem:$0x3FB6];
	_ =	sdelay $0x3  }
0x33: {  	p0 =	seq.s32 s10, $0x1;
	s10 =	sld [smem:$0x3FB8];
	_ =	sdelay $0x3  }
0x34: {  	[smem:$0x3FB8] =	sst s10  }
0x35: {  	s10 =	sld [smem:$0x3FB7];
	_ =	sdelay $0x3  }
0x36: {  	p1 =	seq.s32 s10, $0x1;
	s10 =	sld [smem:$0x3FB8];
	_ =	sdelay $0x3  }
0x37: {  	[smem:$0x3FB8] =	sst s10  }
0x38: {  	s10 =	sld [smem:$0x3FB9]  }
0x39: {  	_ = 	snop;
	(pc) =	sbr.ind lr, $3  }
0x3a: {  	_ = 	snop  }
0x3b: {  	_ = 	snop  }
0x3c: {  	p2 =	seq.s32 s10, $0x1;
	s10 =	sld [smem:$0x3FB8]  }
0x3d: {  	_ =	shalt  }
0x3e: {  	_ =	shalt  }
0x3f: {  	_ =	shalt  }
0x40: {  	_ =	shalt  }
0x41: {  	_ =	shalt  }
0x42: {  	_ =	shalt  }
0x43: {  	_ =	shalt  }
0x44: {  	_ =	shalt  }
0x45: {  	_ =	shalt  }
0x46: {  	_ =	shalt  }
0x47: {  	_ =	shalt  }
0x48: {  	_ =	shalt  }
0x49: {  	_ =	shalt  }
0x4a: {  	_ =	shalt  }
0x4b: {  	_ =	shalt  }
0x4c: {  	_ =	shalt  }
0x4d: {  	_ =	shalt  }
0x4e: {  	_ =	shalt  }
0x4f: {  	_ =	shalt  }
0x50: {  	_ =	shalt  }
0x51: {  	_ =	shalt  }
0x52: {  	_ =	shalt  }
0x53: {  	_ =	shalt  }
0x54: {  	_ =	shalt  }
0x55: {  	_ =	shalt  }
0x56: {  	_ =	shalt  }
0x57: {  	_ =	shalt  }
0x58: {  	_ =	shalt  }
0x59: {  	_ =	shalt  }
0x5a: {  	_ =	shalt  }
0x5b: {  	_ =	shalt  }
0x5c: {  	_ =	shalt  }
0x5d: {  	_ =	shalt  }
0x5e: {  	_ =	shalt  }
0x5f: {  	_ =	shalt  }
0x60: {  	_ =	shalt  }
0x61: {  	_ =	shalt  }
0x62: {  	_ =	shalt  }
0x63: {  	_ =	shalt  }
0x64: {  	_ =	shalt  }
0x65: {  	_ =	shalt  }
0x66: {  	_ =	shalt  }
0x67: {  	_ =	shalt  }
0x68: {  	_ =	shalt  }
0x69: {  	_ =	shalt  }
0x6a: {  	_ =	shalt  }
0x6b: {  	_ =	shalt  }
0x6c: {  	_ =	shalt  }
0x6d: {  	_ =	shalt  }
0x6e: {  	_ =	shalt  }
0x6f: {  	_ =	shalt  }
0x70: {  	_ =	shalt  }
0x71: {  	_ =	shalt  }
0x72: {  	_ =	shalt  }
0x73: {  	_ =	shalt  }
0x74: {  	_ =	shalt  }
0x75: {  	_ =	shalt  }
0x76: {  	_ =	shalt  }
0x77: {  	_ =	shalt  }
0x78: {  	_ =	shalt  }
0x79: {  	_ =	shalt  }
0x7a: {  	_ =	shalt  }
0x7b: {  	_ =	shalt  }
0x7c: {  	_ =	shalt  }
0x7d: {  	_ =	shalt  }
0x7e: {  	_ =	shalt  }
0x7f: {  	_ =	shalt  }
0x80: {  	_ =	shalt  }
0x81: {  	_ =	shalt  }
0x82: {  	_ =	shalt  }
0x83: {  	_ =	shalt  }
0x84: {  	_ =	shalt  }
0x85: {  	_ =	shalt  }
0x86: {  	_ =	shalt  }
0x87: {  	_ =	shalt  }
.Lfunc_end0:
.L_simem_size_0:
called_computation_lowered:
.L_overlay_start_0:
0x88: {  	s2 =	sld [smem:$0x3FD9]  }
0x89: {  	s3 =	sld [smem:$0x3FFE];
	_ =	sdelay $0x1  }
0x8a: {  	s1 =	srdreg.scid  }
0x8b: {  	s0 =	sand.u32 $0x1, s1  }
0x8c: {  	s16 =	sshll.u32 s0, $0xA;
	s2 =	sadd.s32 s3, s2  }
0x8d: {  	s2 =	sadd.s32 s2, s16  }
0x8e: {  	[smem:$0x3FC4] =	sst s2  }
0x8f: {  	_ = 	snop  }
0x90: {  	(tm) =	ssettm $0x1  }
0x91: {  	s17 =	sld [smem:$0x3FFB];
	_ =	sdelay $0x3  }
0x92: {  	_ =	strace s17  }
0x93: {  	s2 =	sld [smem:$0x3FFC];
	_ =	sdelay $0x3  }
0x94: {  	_ =	strace s2  }
0x95: {  	s2 =	sld [smem:$0x3FFD];
	_ =	sdelay $0x3  }
0x96: {  	_ =	strace s2  }
0x97: {  	_ =	strace $0x8FFFFFFF  }
0x98: {  	s18 =	sld [smem:$0x3FDB];
	_ =	sdelay $0x1  }
0x99: {  	s19 =	simm.s32 $_scs_section_size  }
0x9a: {  	s4 =	simm.s32 $_size__tile_overlayer_lowered;
	s5 =	simm.s32 $_tile_overlayer_lowered  }
0x9b: {  	s22 =	simm.s32 $0x1BFF;
	s21 =	sshll.u32 s5, $0x1;
	s2 =	sadd.s32 s19, s18  }
0x9c: {  	s6 =	simm.s32 $0x0;
	s20 =	sshll.u32 s4, $0x1;
	s4 =	sadd.s32 s21, s2  }
0x9d: {  	[timem:s6], [sflag:s22] =	dma.local [hbm:s4], s20  }
0x9e: {  	_ =	swait.ge [sflag:s22], s20  }
0x9f: {  	s3 =	ssub.s32 $0x0, s20;
	[sflag:s22] =	ssyncset.done $0x0  }
0xa0: {  	[sflag:s22] =	ssyncadd.s32 s3;
	_ =	sdelay $0x1  }
0xa1: {  	s23 =	simm.s32 $0x1B8B  }
0xa2: {  	_ =	swait.ge [sflag:s23], $0x1  }
0xa3: {  	[sflag:s23] =	ssyncset.done $0x0  }
0xa4: {  	s25 =	simm.s32 $0x1B8E;
	s24 =	sld [smem:$0x3FFE];
	[sflag:s23] =	ssyncadd.s32 $0xFFFFFFFF  }
0xa5: {  	s26 =	simm.s32 $execute0_lowered;
	[smem:$0x3FD2] =	sst s25  }
0xa6: {  	s4 =	sshll.u32 s26, $0x1;
	_ =	strace $0x80000046;
	[dreg:$0x1] =	wrdreg $0xFFFFFFFF  }
0xa7: {  	s28 =	simm.s32 $_size_execute0_lowered;
	s2 =	sadd.s32 s2, s4;
	[dreg:$0x0] =	wrdreg $0x0  }
0xa8: {  	s4 =	sshll.u32 s28, $0x1;
	[dreg:$0x2] =	wrdreg s2  }
0xa9: {  	[dreg:$0x3] =	wrdreg s4  }
0xaa: {  	[dreg:$0x4] =	wrdreg $0xC0  }
0xab: {  	_ =	task [dreg:s6], $0x5FFFF  }
0xac: {  	[dreg:$0x1] =	wrdreg $0xFFFFFFFF  }
0xad: {  	[dreg:$0x0] =	wrdreg $0x60  }
0xae: {  	[dreg:$0x2] =	wrdreg s24  }
0xaf: {  	[dreg:$0x3] =	wrdreg $0x9  }
0xb0: {  	_ =	task.clear_ibuf [dreg:s6], $0x4FFFF;
	_ =	strace $0x90000046  }
0xb1: {  	s29 =	simm.s32 $0x9;
	_ =	strace $0x80000048  }
0xb2: {  	_ =	swait.ge [sflag:s29], $0x1  }
0xb3: {  	[sflag:s29] =	ssyncadd.s32 $0xFFFFFFFF  }
0xb4: {  	_ =	strace $0x90000048  }
0xb5: {  	_ =	sfence  }
0xb6: {  	s30 =	sld [smem:$0x0];
	_ =	sdelay $0x2  }
0xb7: {  	s31 =	sshll.u32 s1, $0xD;
	s1 =	sshrl.u32 s1, $0x2  }
0xb8: {  	s3 =	sand.u32 $0x4000, s31;
	s1 =	sadd.s32 s1, s30  }
0xb9: {  	s0 =	sor.u32 s3, s0;
	s1 =	sshll.u32 s1, $0x11  }
0xba: {  	s0 =	sor.u32 s1, s0  }
0xbb: {  	s0 =	sadd.s32 $0x8F2B, s0  }
0xbc: {  	[sflag:s0] =	ssyncadd.remote.s32 $0x1  }
0xbd: {  	_ =	sfence.sel $0xFFFF  }
0xbe: {  	[dreg:$0x0] =	wrdreg $0xFFFFFFFF;
	(pc) =	sbr.abs _section_cstart, $3  }
0xbf: {  	[dreg:$0x1] =	wrdreg $0xFFFFFFFF  }
0xc0: {  	_ =	task.clear_ibuf [dreg:s6], $0x2FFFF;
	_ =	strace $0x9FFFFFFF  }
0xc1: {  	(tm) =	ssettm $0x7FFFFFFF  }
tec
execute0_lowered:
.L_overlay_start_1:
0x0: {  	(tag) =	ssettag $0x1  }
0x1: {  	s1 =	srdreg.scid  }
0x2: {  	s0 =	stileid.u32;
	s4 =	rddreg [dreg:$0x0];
	s2 =	simm.s32 $0x0  }
0x3: {  	s9 =	simm.s32 $0x280;
	s10 =	simm.s32 $0x4280;
	s11 =	simm.s32 $0x100  }
0x4: {  	s12 =	simm.s32 $0x8280;
	s13 =	simm.s32 $0x180;
	s14 =	simm.s32 $0xC280  }
0x5: {  	s15 =	simm.s32 $0x200;
	s16 =	simm.s32 $0x10280;
	s17 =	simm.s32 $0x1  }
0x6: {  	s18 =	simm.s32 $0x14280;
	s3 =	sand.u32 $0x1, s1;
	s1 =	rddreg [dreg:$0x1]  }
0x7: {  	s19 =	simm.s32 $0x0;
	s31 =	sshll.u32 s0, $0x1;
	[smem:$0x7FF] =	sst s2  }
0x8: {  	s5 =	sor.u32 s3, s31;
	_ =	strace $0x80000047;
	s7 =	ssub.s32 $0x2, s3  }
0x9: {  	s6 =	smul.u32 $0x50, s5;
	s5 =	sshll.u32 s5, $0x9;
	s8 =	sshrl.u32 s7, $0x1  }
0xa: {  	s3 =	sadd.s32 $0x1400, s4;
	s5 =	sadd.s32 s5, s4;
	s7 =	ssub.s32 s7, s8  }
0xb: {  	s8 =	simm.s32 $0x80;
	s6 =	sadd.s32 s6, s4;
	s5 =	sadd.s32 $0x187E00, s5  }
0xc: {  	s4 =	sadd.s32 $0xA00, s6;
	s6 =	smax.u32 s7, $0x1;
	s7 =	simm.s32 $0x2  }
.LBB2_1:
0xd: {  	[tilespmem:s2], [sflag:$0x2] =	stream.linear.gather [hbm4b:s4+s2], $0x280, $0x38;
	[tilespmem:$0x15280] =	vst v63  }
0xe: {  	_ =	swait.ge [sflag:s7], $0x280  }
0xf: {  	[sflag:s7] =	ssyncset.done $0x0  }
0x10: {  	[sflag:s7] =	ssyncadd.s32 $0xFFFFFD80  }
0x11: {  	[tilespmem:s9], [sflag:$0x1] =	stream.indirect.gather [hbm4b:s3+s8], $0x80, s2, s8, $0xb8;
	[tilespmem:$0x15280] =	vst v63  }
0x12: {  	_ = 	snop  }
0x13: {  	[tilespmem:s10], [sflag:$0x1] =	stream.indirect.gather [hbm4b:s3+s8], $0x80, s8, s8, $0xb8;
	[tilespmem:$0x15280] =	vst v63  }
0x14: {  	_ = 	snop  }
0x15: {  	[tilespmem:s12], [sflag:$0x1] =	stream.indirect.gather [hbm4b:s3+s8], $0x80, s11, s8, $0xb8;
	[tilespmem:$0x15280] =	vst v63  }
0x16: {  	_ = 	snop  }
0x17: {  	[tilespmem:s14], [sflag:$0x1] =	stream.indirect.gather [hbm4b:s3+s8], $0x80, s13, s8, $0xb8;
	[tilespmem:$0x15280] =	vst v63  }
0x18: {  	_ = 	snop  }
0x19: {  	[tilespmem:s16], [sflag:$0x1] =	stream.indirect.gather [hbm4b:s3+s8], $0x80, s15, s8, $0xb8;
	[tilespmem:$0x15280] =	vst v63  }
0x1a: {  	_ =	swait.ge [sflag:s17], $0x4000  }
0x1b: {  	[sflag:s17] =	ssyncset.done $0x0  }
0x1c: {  	[sflag:s17] =	ssyncadd.s32 $0xFFFFC000  }
0x1d: {  	_ =	swait.ge [sflag:s17], $0x4000  }
0x1e: {  	[sflag:s17] =	ssyncset.done $0x0  }
0x1f: {  	[sflag:s17] =	ssyncadd.s32 $0xFFFFC000  }
0x20: {  	_ =	swait.ge [sflag:s17], $0x4000  }
0x21: {  	[sflag:s17] =	ssyncset.done $0x0  }
0x22: {  	[sflag:s17] =	ssyncadd.s32 $0xFFFFC000  }
0x23: {  	_ =	swait.ge [sflag:s17], $0x4000  }
0x24: {  	[sflag:s17] =	ssyncset.done $0x0  }
0x25: {  	[sflag:s17] =	ssyncadd.s32 $0xFFFFC000  }
0x26: {  	_ =	swait.ge [sflag:s17], $0x4000  }
0x27: {  	[sflag:s17] =	ssyncset.done $0x0  }
0x28: {  	s20 =	simm.s32 $0x780;
	[sflag:s17] =	ssyncadd.s32 $0xFFFFC000  }
0x29: {  	v0 =	vld [tilespmem:s20+$0xFFFFFB80]  }
0x2a: {  	v1 =	vld [tilespmem:s20+$0xFFFFFB00];
	_ =	sdelay $0x1  }
0x2b: {  	v2 =	vld [tilespmem:s20+$0xFFFFFC00];
	_ =	sdelay $0x1  }
0x2c: {  	v3 =	vld [tilespmem:s20+$0xFFFFFC80]  }
0x2d: {  	v0 =	vadd.f32 v0, v1  }
0x2e: {  	v1 =	vld [tilespmem:s20+$0xFFFFFD00]  }
0x2f: {  	v0 =	vadd.f32 v2, v0  }
0x30: {  	v2 =	vld [tilespmem:s20+$0xFFFFFD80]  }
0x31: {  	v0 =	vadd.f32 v3, v0  }
0x32: {  	v3 =	vld [tilespmem:s20+$0xFFFFFE00]  }
0x33: {  	v0 =	vadd.f32 v1, v0  }
0x34: {  	v1 =	vld [tilespmem:s20+$0xFFFFFE80]  }
0x35: {  	v0 =	vadd.f32 v2, v0  }
0x36: {  	v2 =	vld [tilespmem:s20+$0xFFFFFF00]  }
0x37: {  	v0 =	vadd.f32 v3, v0  }
0x38: {  	v3 =	vld [tilespmem:s20+$0xFFFFFF80]  }
0x39: {  	v0 =	vadd.f32 v1, v0  }
0x3a: {  	v1 =	vld [tilespmem:s20+$0x0]  }
0x3b: {  	v0 =	vadd.f32 v2, v0  }
0x3c: {  	v2 =	vld [tilespmem:s20+$0x80]  }
0x3d: {  	v0 =	vadd.f32 v3, v0  }
0x3e: {  	v3 =	vld [tilespmem:s20+$0x100]  }
0x3f: {  	v0 =	vadd.f32 v1, v0  }
0x40: {  	v1 =	vld [tilespmem:s20+$0x180]  }
0x41: {  	v0 =	vadd.f32 v2, v0  }
0x42: {  	v2 =	vld [tilespmem:s20+$0x200]  }
0x43: {  	v0 =	vadd.f32 v3, v0  }
0x44: {  	v3 =	vld [tilespmem:s20+$0x280]  }
0x45: {  	v0 =	vadd.f32 v1, v0  }
0x46: {  	v1 =	vld [tilespmem:s20+$0x300]  }
0x47: {  	v0 =	vadd.f32 v2, v0  }
0x48: {  	v2 =	vld [tilespmem:s20+$0x380]  }
0x49: {  	v0 =	vadd.f32 v3, v0  }
0x4a: {  	v3 =	vld [tilespmem:s20+$0x400]  }
0x4b: {  	v0 =	vadd.f32 v1, v0  }
0x4c: {  	v1 =	vld [tilespmem:s20+$0x480]  }
0x4d: {  	v0 =	vadd.f32 v2, v0;
	_ =	sdelay $0x1  }
0x4e: {  	v0 =	vadd.f32 v3, v0;
	_ =	sdelay $0x1  }
0x4f: {  	v0 =	vadd.f32 v1, v0  }
0x50: {  	s21 =	simm.s32 $0x0  }
0x51: {  	[tilespmem:s21+$0x14280] =	vst v0  }
0x52: {  	v0 =	vld [tilespmem:s20+$0xFFFFFB10]  }
0x53: {  	v1 =	vld [tilespmem:s20+$0xFFFFFB90];
	_ =	sdelay $0x1  }
0x54: {  	v2 =	vld [tilespmem:s20+$0xFFFFFC10];
	_ =	sdelay $0x1  }
0x55: {  	v3 =	vld [tilespmem:s20+$0xFFFFFC90]  }
0x56: {  	v0 =	vadd.f32 v1, v0  }
0x57: {  	v1 =	vld [tilespmem:s20+$0xFFFFFD10]  }
0x58: {  	v0 =	vadd.f32 v2, v0  }
0x59: {  	v2 =	vld [tilespmem:s20+$0xFFFFFD90]  }
0x5a: {  	v0 =	vadd.f32 v3, v0  }
0x5b: {  	v3 =	vld [tilespmem:s20+$0xFFFFFE10]  }
0x5c: {  	v0 =	vadd.f32 v1, v0  }
0x5d: {  	v1 =	vld [tilespmem:s20+$0xFFFFFE90]  }
0x5e: {  	v0 =	vadd.f32 v2, v0  }
0x5f: {  	v2 =	vld [tilespmem:s20+$0xFFFFFF10]  }
0x60: {  	v0 =	vadd.f32 v3, v0  }
0x61: {  	v3 =	vld [tilespmem:s20+$0xFFFFFF90]  }
0x62: {  	v0 =	vadd.f32 v1, v0  }
0x63: {  	v1 =	vld [tilespmem:s20+$0x10]  }
0x64: {  	v0 =	vadd.f32 v2, v0  }
0x65: {  	v2 =	vld [tilespmem:s20+$0x90]  }
0x66: {  	v0 =	vadd.f32 v3, v0  }
0x67: {  	v3 =	vld [tilespmem:s20+$0x110]  }
0x68: {  	v0 =	vadd.f32 v1, v0  }
0x69: {  	v1 =	vld [tilespmem:s20+$0x190]  }
0x6a: {  	v0 =	vadd.f32 v2, v0  }
0x6b: {  	v2 =	vld [tilespmem:s20+$0x210]  }
0x6c: {  	v0 =	vadd.f32 v3, v0  }
0x6d: {  	v3 =	vld [tilespmem:s20+$0x290]  }
0x6e: {  	v0 =	vadd.f32 v1, v0  }
0x6f: {  	v1 =	vld [tilespmem:s20+$0x310]  }
0x70: {  	v0 =	vadd.f32 v2, v0  }
0x71: {  	v2 =	vld [tilespmem:s20+$0x390]  }
0x72: {  	v0 =	vadd.f32 v3, v0  }
0x73: {  	v3 =	vld [tilespmem:s20+$0x410]  }
0x74: {  	v0 =	vadd.f32 v1, v0  }
0x75: {  	v1 =	vld [tilespmem:s20+$0x490]  }
0x76: {  	v0 =	vadd.f32 v2, v0;
	_ =	sdelay $0x1  }
0x77: {  	v0 =	vadd.f32 v3, v0;
	_ =	sdelay $0x1  }
0x78: {  	v0 =	vadd.f32 v1, v0;
	_ =	sdelay $0x1  }
0x79: {  	[tilespmem:s21+$0x14290] =	vst v0  }
0x7a: {  	v0 =	vld [tilespmem:s20+$0xFFFFFB20]  }
0x7b: {  	v1 =	vld [tilespmem:s20+$0xFFFFFBA0];
	_ =	sdelay $0x1  }
0x7c: {  	v2 =	vld [tilespmem:s20+$0xFFFFFC20];
	_ =	sdelay $0x1  }
0x7d: {  	v3 =	vld [tilespmem:s20+$0xFFFFFCA0]  }
0x7e: {  	v0 =	vadd.f32 v1, v0  }
0x7f: {  	v1 =	vld [tilespmem:s20+$0xFFFFFD20]  }
0x80: {  	v0 =	vadd.f32 v2, v0  }
0x81: {  	v2 =	vld [tilespmem:s20+$0xFFFFFDA0]  }
0x82: {  	v0 =	vadd.f32 v3, v0  }
0x83: {  	v3 =	vld [tilespmem:s20+$0xFFFFFE20]  }
0x84: {  	v0 =	vadd.f32 v1, v0  }
0x85: {  	v1 =	vld [tilespmem:s20+$0xFFFFFEA0]  }
0x86: {  	v0 =	vadd.f32 v2, v0  }
0x87: {  	v2 =	vld [tilespmem:s20+$0xFFFFFF20]  }
0x88: {  	v0 =	vadd.f32 v3, v0  }
0x89: {  	v3 =	vld [tilespmem:s20+$0xFFFFFFA0]  }
0x8a: {  	v0 =	vadd.f32 v1, v0  }
0x8b: {  	v1 =	vld [tilespmem:s20+$0x20]  }
0x8c: {  	v0 =	vadd.f32 v2, v0  }
0x8d: {  	v2 =	vld [tilespmem:s20+$0xA0]  }
0x8e: {  	v0 =	vadd.f32 v3, v0  }
0x8f: {  	v3 =	vld [tilespmem:s20+$0x120]  }
0x90: {  	v0 =	vadd.f32 v1, v0  }
0x91: {  	v1 =	vld [tilespmem:s20+$0x1A0]  }
0x92: {  	v0 =	vadd.f32 v2, v0  }
0x93: {  	v2 =	vld [tilespmem:s20+$0x220]  }
0x94: {  	v0 =	vadd.f32 v3, v0  }
0x95: {  	v3 =	vld [tilespmem:s20+$0x2A0]  }
0x96: {  	v0 =	vadd.f32 v1, v0  }
0x97: {  	v1 =	vld [tilespmem:s20+$0x320]  }
0x98: {  	v0 =	vadd.f32 v2, v0  }
0x99: {  	v2 =	vld [tilespmem:s20+$0x3A0]  }
0x9a: {  	v0 =	vadd.f32 v3, v0  }
0x9b: {  	v3 =	vld [tilespmem:s20+$0x420]  }
0x9c: {  	v0 =	vadd.f32 v1, v0  }
0x9d: {  	v1 =	vld [tilespmem:s20+$0x4A0]  }
0x9e: {  	v0 =	vadd.f32 v2, v0;
	_ =	sdelay $0x1  }
0x9f: {  	v0 =	vadd.f32 v3, v0;
	_ =	sdelay $0x1  }
0xa0: {  	v0 =	vadd.f32 v1, v0;
	_ =	sdelay $0x1  }
0xa1: {  	[tilespmem:s21+$0x142A0] =	vst v0  }
0xa2: {  	v0 =	vld [tilespmem:s20+$0xFFFFFB30]  }
0xa3: {  	v1 =	vld [tilespmem:s20+$0xFFFFFBB0];
	_ =	sdelay $0x1  }
0xa4: {  	v2 =	vld [tilespmem:s20+$0xFFFFFC30];
	_ =	sdelay $0x1  }
0xa5: {  	v3 =	vld [tilespmem:s20+$0xFFFFFCB0]  }
0xa6: {  	v0 =	vadd.f32 v1, v0  }
0xa7: {  	v1 =	vld [tilespmem:s20+$0xFFFFFD30]  }
0xa8: {  	v0 =	vadd.f32 v2, v0  }
0xa9: {  	v2 =	vld [tilespmem:s20+$0xFFFFFDB0]  }
0xaa: {  	v0 =	vadd.f32 v3, v0  }
0xab: {  	v3 =	vld [tilespmem:s20+$0xFFFFFE30]  }
0xac: {  	v0 =	vadd.f32 v1, v0  }
0xad: {  	v1 =	vld [tilespmem:s20+$0xFFFFFEB0]  }
0xae: {  	v0 =	vadd.f32 v2, v0  }
0xaf: {  	v2 =	vld [tilespmem:s20+$0xFFFFFF30]  }
0xb0: {  	v0 =	vadd.f32 v3, v0  }
0xb1: {  	v3 =	vld [tilespmem:s20+$0xFFFFFFB0]  }
0xb2: {  	v0 =	vadd.f32 v1, v0  }
0xb3: {  	v1 =	vld [tilespmem:s20+$0x30]  }
0xb4: {  	v0 =	vadd.f32 v2, v0  }
0xb5: {  	v2 =	vld [tilespmem:s20+$0xB0]  }
0xb6: {  	v0 =	vadd.f32 v3, v0  }
0xb7: {  	v3 =	vld [tilespmem:s20+$0x130]  }
0xb8: {  	v0 =	vadd.f32 v1, v0  }
0xb9: {  	v1 =	vld [tilespmem:s20+$0x1B0]  }
0xba: {  	v0 =	vadd.f32 v2, v0  }
0xbb: {  	v2 =	vld [tilespmem:s20+$0x230]  }
0xbc: {  	v0 =	vadd.f32 v3, v0  }
0xbd: {  	v3 =	vld [tilespmem:s20+$0x2B0]  }
0xbe: {  	v0 =	vadd.f32 v1, v0  }
0xbf: {  	v1 =	vld [tilespmem:s20+$0x330]  }
0xc0: {  	v0 =	vadd.f32 v2, v0  }
0xc1: {  	v2 =	vld [tilespmem:s20+$0x3B0]  }
0xc2: {  	v0 =	vadd.f32 v3, v0  }
0xc3: {  	v3 =	vld [tilespmem:s20+$0x430]  }
0xc4: {  	v0 =	vadd.f32 v1, v0  }
0xc5: {  	v1 =	vld [tilespmem:s20+$0x4B0]  }
0xc6: {  	v0 =	vadd.f32 v2, v0;
	_ =	sdelay $0x1  }
0xc7: {  	v0 =	vadd.f32 v3, v0;
	_ =	sdelay $0x1  }
0xc8: {  	v0 =	vadd.f32 v1, v0;
	_ =	sdelay $0x1  }
0xc9: {  	[tilespmem:s21+$0x142B0] =	vst v0  }
0xca: {  	v0 =	vld [tilespmem:s20+$0xFFFFFB40]  }
0xcb: {  	v1 =	vld [tilespmem:s20+$0xFFFFFBC0];
	_ =	sdelay $0x1  }
0xcc: {  	v2 =	vld [tilespmem:s20+$0xFFFFFC40];
	_ =	sdelay $0x1  }
0xcd: {  	v3 =	vld [tilespmem:s20+$0xFFFFFCC0]  }
0xce: {  	v0 =	vadd.f32 v1, v0  }
0xcf: {  	v1 =	vld [tilespmem:s20+$0xFFFFFD40]  }
0xd0: {  	v0 =	vadd.f32 v2, v0  }
0xd1: {  	v2 =	vld [tilespmem:s20+$0xFFFFFDC0]  }
0xd2: {  	v0 =	vadd.f32 v3, v0  }
0xd3: {  	v3 =	vld [tilespmem:s20+$0xFFFFFE40]  }
0xd4: {  	v0 =	vadd.f32 v1, v0  }
0xd5: {  	v1 =	vld [tilespmem:s20+$0xFFFFFEC0]  }
0xd6: {  	v0 =	vadd.f32 v2, v0  }
0xd7: {  	v2 =	vld [tilespmem:s20+$0xFFFFFF40]  }
0xd8: {  	v0 =	vadd.f32 v3, v0  }
0xd9: {  	v3 =	vld [tilespmem:s20+$0xFFFFFFC0]  }
0xda: {  	v0 =	vadd.f32 v1, v0  }
0xdb: {  	v1 =	vld [tilespmem:s20+$0x40]  }
0xdc: {  	v0 =	vadd.f32 v2, v0  }
0xdd: {  	v2 =	vld [tilespmem:s20+$0xC0]  }
0xde: {  	v0 =	vadd.f32 v3, v0  }
0xdf: {  	v3 =	vld [tilespmem:s20+$0x140]  }
0xe0: {  	v0 =	vadd.f32 v1, v0  }
0xe1: {  	v1 =	vld [tilespmem:s20+$0x1C0]  }
0xe2: {  	v0 =	vadd.f32 v2, v0  }
0xe3: {  	v2 =	vld [tilespmem:s20+$0x240]  }
0xe4: {  	v0 =	vadd.f32 v3, v0  }
0xe5: {  	v3 =	vld [tilespmem:s20+$0x2C0]  }
0xe6: {  	v0 =	vadd.f32 v1, v0  }
0xe7: {  	v1 =	vld [tilespmem:s20+$0x340]  }
0xe8: {  	v0 =	vadd.f32 v2, v0  }
0xe9: {  	v2 =	vld [tilespmem:s20+$0x3C0]  }
0xea: {  	v0 =	vadd.f32 v3, v0  }
0xeb: {  	v3 =	vld [tilespmem:s20+$0x440]  }
0xec: {  	v0 =	vadd.f32 v1, v0  }
0xed: {  	v1 =	vld [tilespmem:s20+$0x4C0]  }
0xee: {  	v0 =	vadd.f32 v2, v0;
	_ =	sdelay $0x1  }
0xef: {  	v0 =	vadd.f32 v3, v0;
	_ =	sdelay $0x1  }
0xf0: {  	v0 =	vadd.f32 v1, v0;
	_ =	sdelay $0x1  }
0xf1: {  	[tilespmem:s21+$0x142C0] =	vst v0  }
0xf2: {  	v0 =	vld [tilespmem:s20+$0xFFFFFB50]  }
0xf3: {  	v1 =	vld [tilespmem:s20+$0xFFFFFBD0];
	_ =	sdelay $0x1  }
0xf4: {  	v2 =	vld [tilespmem:s20+$0xFFFFFC50];
	_ =	sdelay $0x1  }
0xf5: {  	v3 =	vld [tilespmem:s20+$0xFFFFFCD0]  }
0xf6: {  	v0 =	vadd.f32 v1, v0  }
0xf7: {  	v1 =	vld [tilespmem:s20+$0xFFFFFD50]  }
0xf8: {  	v0 =	vadd.f32 v2, v0  }
0xf9: {  	v2 =	vld [tilespmem:s20+$0xFFFFFDD0]  }
0xfa: {  	v0 =	vadd.f32 v3, v0  }
0xfb: {  	v3 =	vld [tilespmem:s20+$0xFFFFFE50]  }
0xfc: {  	v0 =	vadd.f32 v1, v0  }
0xfd: {  	v1 =	vld [tilespmem:s20+$0xFFFFFED0]  }
0xfe: {  	v0 =	vadd.f32 v2, v0  }
0xff: {  	v2 =	vld [tilespmem:s20+$0xFFFFFF50]  }
0x100: {  	v0 =	vadd.f32 v3, v0  }
0x101: {  	v3 =	vld [tilespmem:s20+$0xFFFFFFD0]  }
0x102: {  	v0 =	vadd.f32 v1, v0  }
0x103: {  	v1 =	vld [tilespmem:s20+$0x50]  }
0x104: {  	v0 =	vadd.f32 v2, v0  }
0x105: {  	v2 =	vld [tilespmem:s20+$0xD0]  }
0x106: {  	v0 =	vadd.f32 v3, v0  }
0x107: {  	v3 =	vld [tilespmem:s20+$0x150]  }
0x108: {  	v0 =	vadd.f32 v1, v0  }
0x109: {  	v1 =	vld [tilespmem:s20+$0x1D0]  }
0x10a: {  	v0 =	vadd.f32 v2, v0  }
0x10b: {  	v2 =	vld [tilespmem:s20+$0x250]  }
0x10c: {  	v0 =	vadd.f32 v3, v0  }
0x10d: {  	v3 =	vld [tilespmem:s20+$0x2D0]  }
0x10e: {  	v0 =	vadd.f32 v1, v0  }
0x10f: {  	v1 =	vld [tilespmem:s20+$0x350]  }
0x110: {  	v0 =	vadd.f32 v2, v0  }
0x111: {  	v2 =	vld [tilespmem:s20+$0x3D0]  }
0x112: {  	v0 =	vadd.f32 v3, v0  }
0x113: {  	v3 =	vld [tilespmem:s20+$0x450]  }
0x114: {  	v0 =	vadd.f32 v1, v0  }
0x115: {  	v1 =	vld [tilespmem:s20+$0x4D0]  }
0x116: {  	v0 =	vadd.f32 v2, v0;
	_ =	sdelay $0x1  }
0x117: {  	v0 =	vadd.f32 v3, v0;
	_ =	sdelay $0x1  }
0x118: {  	v0 =	vadd.f32 v1, v0;
	_ =	sdelay $0x1  }
0x119: {  	[tilespmem:s21+$0x142D0] =	vst v0  }
0x11a: {  	v0 =	vld [tilespmem:s20+$0xFFFFFB60]  }
0x11b: {  	v1 =	vld [tilespmem:s20+$0xFFFFFBE0];
	_ =	sdelay $0x1  }
0x11c: {  	v2 =	vld [tilespmem:s20+$0xFFFFFC60];
	_ =	sdelay $0x1  }
0x11d: {  	v3 =	vld [tilespmem:s20+$0xFFFFFCE0]  }
0x11e: {  	v0 =	vadd.f32 v1, v0  }
0x11f: {  	v1 =	vld [tilespmem:s20+$0xFFFFFD60]  }
0x120: {  	v0 =	vadd.f32 v2, v0  }
0x121: {  	v2 =	vld [tilespmem:s20+$0xFFFFFDE0]  }
0x122: {  	v0 =	vadd.f32 v3, v0  }
0x123: {  	v3 =	vld [tilespmem:s20+$0xFFFFFE60]  }
0x124: {  	v0 =	vadd.f32 v1, v0  }
0x125: {  	v1 =	vld [tilespmem:s20+$0xFFFFFEE0]  }
0x126: {  	v0 =	vadd.f32 v2, v0  }
0x127: {  	v2 =	vld [tilespmem:s20+$0xFFFFFF60]  }
0x128: {  	v0 =	vadd.f32 v3, v0  }
0x129: {  	v3 =	vld [tilespmem:s20+$0xFFFFFFE0]  }
0x12a: {  	v0 =	vadd.f32 v1, v0  }
0x12b: {  	v1 =	vld [tilespmem:s20+$0x60]  }
0x12c: {  	v0 =	vadd.f32 v2, v0  }
0x12d: {  	v2 =	vld [tilespmem:s20+$0xE0]  }
0x12e: {  	v0 =	vadd.f32 v3, v0  }
0x12f: {  	v3 =	vld [tilespmem:s20+$0x160]  }
0x130: {  	v0 =	vadd.f32 v1, v0  }
0x131: {  	v1 =	vld [tilespmem:s20+$0x1E0]  }
0x132: {  	v0 =	vadd.f32 v2, v0  }
0x133: {  	v2 =	vld [tilespmem:s20+$0x260]  }
0x134: {  	v0 =	vadd.f32 v3, v0  }
0x135: {  	v3 =	vld [tilespmem:s20+$0x2E0]  }
0x136: {  	v0 =	vadd.f32 v1, v0  }
0x137: {  	v1 =	vld [tilespmem:s20+$0x360]  }
0x138: {  	v0 =	vadd.f32 v2, v0  }
0x139: {  	v2 =	vld [tilespmem:s20+$0x3E0]  }
0x13a: {  	v0 =	vadd.f32 v3, v0  }
0x13b: {  	v3 =	vld [tilespmem:s20+$0x460]  }
0x13c: {  	v0 =	vadd.f32 v1, v0  }
0x13d: {  	v1 =	vld [tilespmem:s20+$0x4E0]  }
0x13e: {  	v0 =	vadd.f32 v2, v0;
	_ =	sdelay $0x1  }
0x13f: {  	v0 =	vadd.f32 v3, v0;
	_ =	sdelay $0x1  }
0x140: {  	v0 =	vadd.f32 v1, v0;
	_ =	sdelay $0x1  }
0x141: {  	[tilespmem:s21+$0x142E0] =	vst v0  }
0x142: {  	v0 =	vld [tilespmem:s20+$0xFFFFFB70]  }
0x143: {  	v1 =	vld [tilespmem:s20+$0xFFFFFBF0];
	_ =	sdelay $0x1  }
0x144: {  	v2 =	vld [tilespmem:s20+$0xFFFFFC70];
	_ =	sdelay $0x1  }
0x145: {  	v3 =	vld [tilespmem:s20+$0xFFFFFCF0]  }
0x146: {  	v0 =	vadd.f32 v1, v0  }
0x147: {  	v1 =	vld [tilespmem:s20+$0xFFFFFD70]  }
0x148: {  	v0 =	vadd.f32 v2, v0  }
0x149: {  	v2 =	vld [tilespmem:s20+$0xFFFFFDF0]  }
0x14a: {  	v0 =	vadd.f32 v3, v0  }
0x14b: {  	v3 =	vld [tilespmem:s20+$0xFFFFFE70]  }
0x14c: {  	v0 =	vadd.f32 v1, v0  }
0x14d: {  	v1 =	vld [tilespmem:s20+$0xFFFFFEF0]  }
0x14e: {  	v0 =	vadd.f32 v2, v0  }
0x14f: {  	v2 =	vld [tilespmem:s20+$0xFFFFFF70]  }
0x150: {  	v0 =	vadd.f32 v3, v0  }
0x151: {  	v3 =	vld [tilespmem:s20+$0xFFFFFFF0]  }
0x152: {  	v0 =	vadd.f32 v1, v0  }
0x153: {  	v1 =	vld [tilespmem:s20+$0x70]  }
0x154: {  	v0 =	vadd.f32 v2, v0  }
0x155: {  	v2 =	vld [tilespmem:s20+$0xF0]  }
0x156: {  	v0 =	vadd.f32 v3, v0  }
0x157: {  	v3 =	vld [tilespmem:s20+$0x170]  }
0x158: {  	v0 =	vadd.f32 v1, v0  }
0x159: {  	v1 =	vld [tilespmem:s20+$0x1F0]  }
0x15a: {  	v0 =	vadd.f32 v2, v0  }
0x15b: {  	v2 =	vld [tilespmem:s20+$0x270]  }
0x15c: {  	v0 =	vadd.f32 v3, v0  }
0x15d: {  	v4 =	vld [tilespmem:s20+$0x2F0]  }
0x15e: {  	v1 =	vadd.f32 v1, v0  }
0x15f: {  	v3 =	vld [tilespmem:s20+$0x370]  }
0x160: {  	v0 =	vld [tilespmem:s20+$0x3F0];
	v5 =	vadd.f32 v2, v1  }
0x161: {  	v1 =	vld [tilespmem:s20+$0x470]  }
0x162: {  	s22 =	simm.s32 $0x200;
	v2 =	vld [tilespmem:s20+$0x4F0];
	v4 =	vadd.f32 v4, v5  }
.LBB2_2:
0x163: {  	p0 =	sne.s32 s22, $0x3E00  }
0x164: {  	s20 =	sadd.s32 $0xA00, s20;
	s23 =	smov.u32 s22;
	s22 =	sadd.s32 $0x200, s22;
	v3 =	vadd.f32 v3, v4  }
0x165: {  	_ = 	snop  }
0x166: {  	v0 =	vadd.f32 v0, v3;
	_ =	sdelay $0x1  }
0x167: {  	v0 =	vadd.f32 v1, v0;
	_ =	sdelay $0x1  }
0x168: {  	v0 =	vadd.f32 v2, v0;
	_ =	sdelay $0x1  }
0x169: {  	[tilespmem:s21+$0x142F0] =	vst v0  }
0x16a: {  	v0 =	vld [tilespmem:s20+$0xFFFFFB80]  }
0x16b: {  	v1 =	vld [tilespmem:s20+$0xFFFFFB00]  }
0x16c: {  	v2 =	vld [tilespmem:s20+$0xFFFFFC00];
	_ =	sdelay $0x2  }
0x16d: {  	v3 =	vld [tilespmem:s20+$0xFFFFFC80]  }
0x16e: {  	v0 =	vadd.f32 v0, v1  }
0x16f: {  	v1 =	vld [tilespmem:s20+$0xFFFFFD00]  }
0x170: {  	v0 =	vadd.f32 v2, v0  }
0x171: {  	v2 =	vld [tilespmem:s20+$0xFFFFFD80]  }
0x172: {  	v0 =	vadd.f32 v3, v0  }
0x173: {  	v3 =	vld [tilespmem:s20+$0xFFFFFE00]  }
0x174: {  	v0 =	vadd.f32 v1, v0  }
0x175: {  	v1 =	vld [tilespmem:s20+$0xFFFFFE80]  }
0x176: {  	v0 =	vadd.f32 v2, v0  }
0x177: {  	v2 =	vld [tilespmem:s20+$0xFFFFFF00]  }
0x178: {  	v0 =	vadd.f32 v3, v0  }
0x179: {  	v3 =	vld [tilespmem:s20+$0xFFFFFF80]  }
0x17a: {  	v0 =	vadd.f32 v1, v0  }
0x17b: {  	v1 =	vld [tilespmem:s20+$0x0]  }
0x17c: {  	v0 =	vadd.f32 v2, v0  }
0x17d: {  	v2 =	vld [tilespmem:s20+$0x80]  }
0x17e: {  	v0 =	vadd.f32 v3, v0  }
0x17f: {  	v3 =	vld [tilespmem:s20+$0x100]  }
0x180: {  	v0 =	vadd.f32 v1, v0  }
0x181: {  	v1 =	vld [tilespmem:s20+$0x180]  }
0x182: {  	v0 =	vadd.f32 v2, v0  }
0x183: {  	v2 =	vld [tilespmem:s20+$0x200]  }
0x184: {  	v0 =	vadd.f32 v3, v0  }
0x185: {  	v3 =	vld [tilespmem:s20+$0x280]  }
0x186: {  	v0 =	vadd.f32 v1, v0  }
0x187: {  	v1 =	vld [tilespmem:s20+$0x300]  }
0x188: {  	v0 =	vadd.f32 v2, v0  }
0x189: {  	v2 =	vld [tilespmem:s20+$0x380]  }
0x18a: {  	v0 =	vadd.f32 v3, v0  }
0x18b: {  	v3 =	vld [tilespmem:s20+$0x400]  }
0x18c: {  	v0 =	vadd.f32 v1, v0  }
0x18d: {  	v1 =	vld [tilespmem:s20+$0x480]  }
0x18e: {  	v0 =	vadd.f32 v2, v0;
	_ =	sdelay $0x1  }
0x18f: {  	v0 =	vadd.f32 v3, v0;
	_ =	sdelay $0x1  }
0x190: {  	v0 =	vadd.f32 v1, v0  }
0x191: {  	s21 =	sshra.s32 s23, $0x2  }
0x192: {  	[tilespmem:s21+$0x14280] =	vst v0  }
0x193: {  	v0 =	vld [tilespmem:s20+$0xFFFFFB10]  }
0x194: {  	v1 =	vld [tilespmem:s20+$0xFFFFFB90];
	_ =	sdelay $0x1  }
0x195: {  	v2 =	vld [tilespmem:s20+$0xFFFFFC10];
	_ =	sdelay $0x1  }
0x196: {  	v3 =	vld [tilespmem:s20+$0xFFFFFC90]  }
0x197: {  	v0 =	vadd.f32 v1, v0  }
0x198: {  	v1 =	vld [tilespmem:s20+$0xFFFFFD10]  }
0x199: {  	v0 =	vadd.f32 v2, v0  }
0x19a: {  	v2 =	vld [tilespmem:s20+$0xFFFFFD90]  }
0x19b: {  	v0 =	vadd.f32 v3, v0  }
0x19c: {  	v3 =	vld [tilespmem:s20+$0xFFFFFE10]  }
0x19d: {  	v0 =	vadd.f32 v1, v0  }
0x19e: {  	v1 =	vld [tilespmem:s20+$0xFFFFFE90]  }
0x19f: {  	v0 =	vadd.f32 v2, v0  }
0x1a0: {  	v2 =	vld [tilespmem:s20+$0xFFFFFF10]  }
0x1a1: {  	v0 =	vadd.f32 v3, v0  }
0x1a2: {  	v3 =	vld [tilespmem:s20+$0xFFFFFF90]  }
0x1a3: {  	v0 =	vadd.f32 v1, v0  }
0x1a4: {  	v1 =	vld [tilespmem:s20+$0x10]  }
0x1a5: {  	v0 =	vadd.f32 v2, v0  }
0x1a6: {  	v2 =	vld [tilespmem:s20+$0x90]  }
0x1a7: {  	v0 =	vadd.f32 v3, v0  }
0x1a8: {  	v3 =	vld [tilespmem:s20+$0x110]  }
0x1a9: {  	v0 =	vadd.f32 v1, v0  }
0x1aa: {  	v1 =	vld [tilespmem:s20+$0x190]  }
0x1ab: {  	v0 =	vadd.f32 v2, v0  }
0x1ac: {  	v2 =	vld [tilespmem:s20+$0x210]  }
0x1ad: {  	v0 =	vadd.f32 v3, v0  }
0x1ae: {  	v3 =	vld [tilespmem:s20+$0x290]  }
0x1af: {  	v0 =	vadd.f32 v1, v0  }
0x1b0: {  	v1 =	vld [tilespmem:s20+$0x310]  }
0x1b1: {  	v0 =	vadd.f32 v2, v0  }
0x1b2: {  	v2 =	vld [tilespmem:s20+$0x390]  }
0x1b3: {  	v0 =	vadd.f32 v3, v0  }
0x1b4: {  	v3 =	vld [tilespmem:s20+$0x410]  }
0x1b5: {  	v0 =	vadd.f32 v1, v0  }
0x1b6: {  	v1 =	vld [tilespmem:s20+$0x490]  }
0x1b7: {  	v0 =	vadd.f32 v2, v0;
	_ =	sdelay $0x1  }
0x1b8: {  	v0 =	vadd.f32 v3, v0;
	_ =	sdelay $0x1  }
0x1b9: {  	v0 =	vadd.f32 v1, v0;
	_ =	sdelay $0x1  }
0x1ba: {  	[tilespmem:s21+$0x14290] =	vst v0  }
0x1bb: {  	v0 =	vld [tilespmem:s20+$0xFFFFFB20]  }
0x1bc: {  	v1 =	vld [tilespmem:s20+$0xFFFFFBA0];
	_ =	sdelay $0x1  }
0x1bd: {  	v2 =	vld [tilespmem:s20+$0xFFFFFC20];
	_ =	sdelay $0x1  }
0x1be: {  	v3 =	vld [tilespmem:s20+$0xFFFFFCA0]  }
0x1bf: {  	v0 =	vadd.f32 v1, v0  }
0x1c0: {  	v1 =	vld [tilespmem:s20+$0xFFFFFD20]  }
0x1c1: {  	v0 =	vadd.f32 v2, v0  }
0x1c2: {  	v2 =	vld [tilespmem:s20+$0xFFFFFDA0]  }
0x1c3: {  	v0 =	vadd.f32 v3, v0  }
0x1c4: {  	v3 =	vld [tilespmem:s20+$0xFFFFFE20]  }
0x1c5: {  	v0 =	vadd.f32 v1, v0  }
0x1c6: {  	v1 =	vld [tilespmem:s20+$0xFFFFFEA0]  }
0x1c7: {  	v0 =	vadd.f32 v2, v0  }
0x1c8: {  	v2 =	vld [tilespmem:s20+$0xFFFFFF20]  }
0x1c9: {  	v0 =	vadd.f32 v3, v0  }
0x1ca: {  	v3 =	vld [tilespmem:s20+$0xFFFFFFA0]  }
0x1cb: {  	v0 =	vadd.f32 v1, v0  }
0x1cc: {  	v1 =	vld [tilespmem:s20+$0x20]  }
0x1cd: {  	v0 =	vadd.f32 v2, v0  }
0x1ce: {  	v2 =	vld [tilespmem:s20+$0xA0]  }
0x1cf: {  	v0 =	vadd.f32 v3, v0  }
0x1d0: {  	v3 =	vld [tilespmem:s20+$0x120]  }
0x1d1: {  	v0 =	vadd.f32 v1, v0  }
0x1d2: {  	v1 =	vld [tilespmem:s20+$0x1A0]  }
0x1d3: {  	v0 =	vadd.f32 v2, v0  }
0x1d4: {  	v2 =	vld [tilespmem:s20+$0x220]  }
0x1d5: {  	v0 =	vadd.f32 v3, v0  }
0x1d6: {  	v3 =	vld [tilespmem:s20+$0x2A0]  }
0x1d7: {  	v0 =	vadd.f32 v1, v0  }
0x1d8: {  	v1 =	vld [tilespmem:s20+$0x320]  }
0x1d9: {  	v0 =	vadd.f32 v2, v0  }
0x1da: {  	v2 =	vld [tilespmem:s20+$0x3A0]  }
0x1db: {  	v0 =	vadd.f32 v3, v0  }
0x1dc: {  	v3 =	vld [tilespmem:s20+$0x420]  }
0x1dd: {  	v0 =	vadd.f32 v1, v0  }
0x1de: {  	v1 =	vld [tilespmem:s20+$0x4A0]  }
0x1df: {  	v0 =	vadd.f32 v2, v0;
	_ =	sdelay $0x1  }
0x1e0: {  	v0 =	vadd.f32 v3, v0;
	_ =	sdelay $0x1  }
0x1e1: {  	v0 =	vadd.f32 v1, v0;
	_ =	sdelay $0x1  }
0x1e2: {  	[tilespmem:s21+$0x142A0] =	vst v0  }
0x1e3: {  	v0 =	vld [tilespmem:s20+$0xFFFFFB30]  }
0x1e4: {  	v1 =	vld [tilespmem:s20+$0xFFFFFBB0]  }
0x1e5: {  	v2 =	vld [tilespmem:s20+$0xFFFFFC30];
	_ =	sdelay $0x2  }
0x1e6: {  	v3 =	vld [tilespmem:s20+$0xFFFFFCB0]  }
0x1e7: {  	v0 =	vadd.f32 v1, v0  }
0x1e8: {  	v1 =	vld [tilespmem:s20+$0xFFFFFD30]  }
0x1e9: {  	v0 =	vadd.f32 v2, v0  }
0x1ea: {  	v2 =	vld [tilespmem:s20+$0xFFFFFDB0]  }
0x1eb: {  	v0 =	vadd.f32 v3, v0  }
0x1ec: {  	v3 =	vld [tilespmem:s20+$0xFFFFFE30]  }
0x1ed: {  	v0 =	vadd.f32 v1, v0  }
0x1ee: {  	v1 =	vld [tilespmem:s20+$0xFFFFFEB0]  }
0x1ef: {  	v0 =	vadd.f32 v2, v0  }
0x1f0: {  	v2 =	vld [tilespmem:s20+$0xFFFFFF30]  }
0x1f1: {  	v0 =	vadd.f32 v3, v0  }
0x1f2: {  	v3 =	vld [tilespmem:s20+$0xFFFFFFB0]  }
0x1f3: {  	v0 =	vadd.f32 v1, v0  }
0x1f4: {  	v1 =	vld [tilespmem:s20+$0x30]  }
0x1f5: {  	v0 =	vadd.f32 v2, v0  }
0x1f6: {  	v2 =	vld [tilespmem:s20+$0xB0]  }
0x1f7: {  	v0 =	vadd.f32 v3, v0  }
0x1f8: {  	v3 =	vld [tilespmem:s20+$0x130]  }
0x1f9: {  	v0 =	vadd.f32 v1, v0  }
0x1fa: {  	v1 =	vld [tilespmem:s20+$0x1B0]  }
0x1fb: {  	v0 =	vadd.f32 v2, v0  }
0x1fc: {  	v2 =	vld [tilespmem:s20+$0x230]  }
0x1fd: {  	v0 =	vadd.f32 v3, v0  }
0x1fe: {  	v3 =	vld [tilespmem:s20+$0x2B0]  }
0x1ff: {  	v0 =	vadd.f32 v1, v0  }
0x200: {  	v1 =	vld [tilespmem:s20+$0x330]  }
0x201: {  	v0 =	vadd.f32 v2, v0  }
0x202: {  	v2 =	vld [tilespmem:s20+$0x3B0]  }
0x203: {  	v0 =	vadd.f32 v3, v0  }
0x204: {  	v3 =	vld [tilespmem:s20+$0x430]  }
0x205: {  	v0 =	vadd.f32 v1, v0  }
0x206: {  	v1 =	vld [tilespmem:s20+$0x4B0]  }
0x207: {  	v0 =	vadd.f32 v2, v0;
	_ =	sdelay $0x1  }
0x208: {  	v0 =	vadd.f32 v3, v0;
	_ =	sdelay $0x1  }
0x209: {  	v0 =	vadd.f32 v1, v0;
	_ =	sdelay $0x1  }
0x20a: {  	[tilespmem:s21+$0x142B0] =	vst v0  }
0x20b: {  	v0 =	vld [tilespmem:s20+$0xFFFFFB40]  }
0x20c: {  	v1 =	vld [tilespmem:s20+$0xFFFFFBC0];
	_ =	sdelay $0x1  }
0x20d: {  	v2 =	vld [tilespmem:s20+$0xFFFFFC40];
	_ =	sdelay $0x1  }
0x20e: {  	v3 =	vld [tilespmem:s20+$0xFFFFFCC0]  }
0x20f: {  	v0 =	vadd.f32 v1, v0  }
0x210: {  	v1 =	vld [tilespmem:s20+$0xFFFFFD40]  }
0x211: {  	v0 =	vadd.f32 v2, v0  }
0x212: {  	v2 =	vld [tilespmem:s20+$0xFFFFFDC0]  }
0x213: {  	v0 =	vadd.f32 v3, v0  }
0x214: {  	v3 =	vld [tilespmem:s20+$0xFFFFFE40]  }
0x215: {  	v0 =	vadd.f32 v1, v0  }
0x216: {  	v1 =	vld [tilespmem:s20+$0xFFFFFEC0]  }
0x217: {  	v0 =	vadd.f32 v2, v0  }
0x218: {  	v2 =	vld [tilespmem:s20+$0xFFFFFF40]  }
0x219: {  	v0 =	vadd.f32 v3, v0  }
0x21a: {  	v3 =	vld [tilespmem:s20+$0xFFFFFFC0]  }
0x21b: {  	v0 =	vadd.f32 v1, v0  }
0x21c: {  	v1 =	vld [tilespmem:s20+$0x40]  }
0x21d: {  	v0 =	vadd.f32 v2, v0  }
0x21e: {  	v2 =	vld [tilespmem:s20+$0xC0]  }
0x21f: {  	v0 =	vadd.f32 v3, v0  }
0x220: {  	v3 =	vld [tilespmem:s20+$0x140]  }
0x221: {  	v0 =	vadd.f32 v1, v0  }
0x222: {  	v1 =	vld [tilespmem:s20+$0x1C0]  }
0x223: {  	v0 =	vadd.f32 v2, v0  }
0x224: {  	v2 =	vld [tilespmem:s20+$0x240]  }
0x225: {  	v0 =	vadd.f32 v3, v0  }
0x226: {  	v3 =	vld [tilespmem:s20+$0x2C0]  }
0x227: {  	v0 =	vadd.f32 v1, v0  }
0x228: {  	v1 =	vld [tilespmem:s20+$0x340]  }
0x229: {  	v0 =	vadd.f32 v2, v0  }
0x22a: {  	v2 =	vld [tilespmem:s20+$0x3C0]  }
0x22b: {  	v0 =	vadd.f32 v3, v0  }
0x22c: {  	v3 =	vld [tilespmem:s20+$0x440]  }
0x22d: {  	v0 =	vadd.f32 v1, v0  }
0x22e: {  	v1 =	vld [tilespmem:s20+$0x4C0]  }
0x22f: {  	v0 =	vadd.f32 v2, v0;
	_ =	sdelay $0x1  }
0x230: {  	v0 =	vadd.f32 v3, v0;
	_ =	sdelay $0x1  }
0x231: {  	v0 =	vadd.f32 v1, v0;
	_ =	sdelay $0x1  }
0x232: {  	[tilespmem:s21+$0x142C0] =	vst v0  }
0x233: {  	v0 =	vld [tilespmem:s20+$0xFFFFFB50]  }
0x234: {  	v1 =	vld [tilespmem:s20+$0xFFFFFBD0]  }
0x235: {  	v2 =	vld [tilespmem:s20+$0xFFFFFC50]  }
0x236: {  	v3 =	vld [tilespmem:s20+$0xFFFFFCD0]  }
0x237: {  	v4 =	vld [tilespmem:s20+$0xFFFFFD50]  }
0x238: {  	v5 =	vld [tilespmem:s20+$0xFFFFFDD0]  }
0x239: {  	v0 =	vadd.f32 v1, v0;
	v1 =	vld [tilespmem:s20+$0xFFFFFE50]  }
0x23a: {  	v6 =	vld [tilespmem:s20+$0xFFFFFED0]  }
0x23b: {  	v0 =	vadd.f32 v2, v0;
	v2 =	vld [tilespmem:s20+$0xFFFFFF50]  }
0x23c: {  	v7 =	vld [tilespmem:s20+$0xFFFFFFD0]  }
0x23d: {  	v0 =	vadd.f32 v3, v0;
	v3 =	vld [tilespmem:s20+$0x50]  }
0x23e: {  	v8 =	vld [tilespmem:s20+$0xD0]  }
0x23f: {  	v0 =	vadd.f32 v4, v0;
	v4 =	vld [tilespmem:s20+$0x150]  }
0x240: {  	v9 =	vld [tilespmem:s20+$0x1D0]  }
0x241: {  	v0 =	vadd.f32 v5, v0;
	v5 =	vld [tilespmem:s20+$0x250]  }
0x242: {  	v10 =	vld [tilespmem:s20+$0x2D0]  }
0x243: {  	v0 =	vadd.f32 v1, v0;
	v1 =	vld [tilespmem:s20+$0x350]  }
0x244: {  	v11 =	vld [tilespmem:s20+$0x3D0]  }
0x245: {  	v0 =	vadd.f32 v6, v0;
	v6 =	vld [tilespmem:s20+$0x450]  }
0x246: {  	v12 =	vld [tilespmem:s20+$0x4D0]  }
0x247: {  	v0 =	vadd.f32 v2, v0;
	_ =	sdelay $0x1  }
0x248: {  	v0 =	vadd.f32 v7, v0;
	_ =	sdelay $0x1  }
0x249: {  	v0 =	vadd.f32 v3, v0;
	_ =	sdelay $0x1  }
0x24a: {  	v0 =	vadd.f32 v8, v0;
	_ =	sdelay $0x1  }
0x24b: {  	v0 =	vadd.f32 v4, v0;
	_ =	sdelay $0x1  }
0x24c: {  	v0 =	vadd.f32 v9, v0;
	_ =	sdelay $0x1  }
0x24d: {  	v0 =	vadd.f32 v5, v0;
	_ =	sdelay $0x1  }
0x24e: {  	v0 =	vadd.f32 v10, v0;
	_ =	sdelay $0x1  }
0x24f: {  	v0 =	vadd.f32 v1, v0;
	_ =	sdelay $0x1  }
0x250: {  	v0 =	vadd.f32 v11, v0;
	_ =	sdelay $0x1  }
0x251: {  	v0 =	vadd.f32 v6, v0;
	_ =	sdelay $0x1  }
0x252: {  	v0 =	vadd.f32 v12, v0;
	_ =	sdelay $0x1  }
0x253: {  	[tilespmem:s21+$0x142D0] =	vst v0  }
0x254: {  	v0 =	vld [tilespmem:s20+$0xFFFFFB60]  }
0x255: {  	v1 =	vld [tilespmem:s20+$0xFFFFFBE0]  }
0x256: {  	v2 =	vld [tilespmem:s20+$0xFFFFFC60]  }
0x257: {  	v3 =	vld [tilespmem:s20+$0xFFFFFCE0]  }
0x258: {  	v4 =	vld [tilespmem:s20+$0xFFFFFD60]  }
0x259: {  	v5 =	vld [tilespmem:s20+$0xFFFFFDE0]  }
0x25a: {  	v0 =	vadd.f32 v1, v0;
	v1 =	vld [tilespmem:s20+$0xFFFFFE60]  }
0x25b: {  	v6 =	vld [tilespmem:s20+$0xFFFFFEE0]  }
0x25c: {  	v0 =	vadd.f32 v2, v0;
	v2 =	vld [tilespmem:s20+$0xFFFFFF60]  }
0x25d: {  	v7 =	vld [tilespmem:s20+$0xFFFFFFE0]  }
0x25e: {  	v0 =	vadd.f32 v3, v0;
	v3 =	vld [tilespmem:s20+$0x60]  }
0x25f: {  	v8 =	vld [tilespmem:s20+$0xE0]  }
0x260: {  	v0 =	vadd.f32 v4, v0;
	v4 =	vld [tilespmem:s20+$0x160]  }
0x261: {  	v9 =	vld [tilespmem:s20+$0x1E0]  }
0x262: {  	v0 =	vadd.f32 v5, v0;
	v5 =	vld [tilespmem:s20+$0x260]  }
0x263: {  	v10 =	vld [tilespmem:s20+$0x2E0]  }
0x264: {  	v0 =	vadd.f32 v1, v0;
	v1 =	vld [tilespmem:s20+$0x360]  }
0x265: {  	v11 =	vld [tilespmem:s20+$0x3E0]  }
0x266: {  	v0 =	vadd.f32 v6, v0;
	v6 =	vld [tilespmem:s20+$0x460]  }
0x267: {  	v12 =	vld [tilespmem:s20+$0x4E0]  }
0x268: {  	v0 =	vadd.f32 v2, v0;
	_ =	sdelay $0x1  }
0x269: {  	v0 =	vadd.f32 v7, v0;
	_ =	sdelay $0x1  }
0x26a: {  	v0 =	vadd.f32 v3, v0;
	_ =	sdelay $0x1  }
0x26b: {  	v0 =	vadd.f32 v8, v0;
	_ =	sdelay $0x1  }
0x26c: {  	v0 =	vadd.f32 v4, v0;
	_ =	sdelay $0x1  }
0x26d: {  	v0 =	vadd.f32 v9, v0;
	_ =	sdelay $0x1  }
0x26e: {  	v0 =	vadd.f32 v5, v0;
	_ =	sdelay $0x1  }
0x26f: {  	v0 =	vadd.f32 v10, v0;
	_ =	sdelay $0x1  }
0x270: {  	v0 =	vadd.f32 v1, v0;
	_ =	sdelay $0x1  }
0x271: {  	v0 =	vadd.f32 v11, v0;
	_ =	sdelay $0x1  }
0x272: {  	v0 =	vadd.f32 v6, v0;
	_ =	sdelay $0x1  }
0x273: {  	v0 =	vadd.f32 v12, v0;
	_ =	sdelay $0x1  }
0x274: {  	[tilespmem:s21+$0x142E0] =	vst v0  }
0x275: {  	v0 =	vld [tilespmem:s20+$0xFFFFFB70]  }
0x276: {  	v1 =	vld [tilespmem:s20+$0xFFFFFBF0]  }
0x277: {  	v2 =	vld [tilespmem:s20+$0xFFFFFC70]  }
0x278: {  	v3 =	vld [tilespmem:s20+$0xFFFFFCF0]  }
0x279: {  	v4 =	vld [tilespmem:s20+$0xFFFFFD70]  }
0x27a: {  	v5 =	vld [tilespmem:s20+$0xFFFFFDF0]  }
0x27b: {  	v0 =	vadd.f32 v1, v0;
	v1 =	vld [tilespmem:s20+$0xFFFFFE70]  }
0x27c: {  	v6 =	vld [tilespmem:s20+$0xFFFFFEF0]  }
0x27d: {  	v0 =	vadd.f32 v2, v0;
	v7 =	vld [tilespmem:s20+$0xFFFFFF70]  }
0x27e: {  	v8 =	vld [tilespmem:s20+$0xFFFFFFF0]  }
0x27f: {  	v0 =	vadd.f32 v3, v0;
	v9 =	vld [tilespmem:s20+$0x70]  }
0x280: {  	v10 =	vld [tilespmem:s20+$0xF0]  }
0x281: {  	v0 =	vadd.f32 v4, v0;
	v4 =	vld [tilespmem:s20+$0x170]  }
0x282: {  	v11 =	vld [tilespmem:s20+$0x1F0]  }
0x283: {  	v0 =	vadd.f32 v5, v0;
	v5 =	vld [tilespmem:s20+$0x270]  }
0x284: {  	v12 =	vld [tilespmem:s20+$0x2F0]  }
0x285: {  	v1 =	vadd.f32 v1, v0;
	v3 =	vld [tilespmem:s20+$0x370]  }
0x286: {  	v0 =	vld [tilespmem:s20+$0x3F0]  }
0x287: {  	v6 =	vadd.f32 v6, v1;
	v1 =	vld [tilespmem:s20+$0x470]  }
0x288: {  	v2 =	vld [tilespmem:s20+$0x4F0]  }
0x289: {  	v6 =	vadd.f32 v7, v6;
	_ =	sdelay $0x1  }
0x28a: {  	v6 =	vadd.f32 v8, v6;
	_ =	sdelay $0x1  }
0x28b: {  	v6 =	vadd.f32 v9, v6;
	_ =	sdelay $0x1  }
0x28c: {  	v6 =	vadd.f32 v10, v6;
	_ =	sdelay $0x1  }
0x28d: {  	v4 =	vadd.f32 v4, v6;
	_ =	sdelay $0x1  }
.Ltmp0:
0x28e: {  	v4 =	vadd.f32 v11, v4;
	(pc) =	sbr.rel @p0 .LBB2_2-.Ltmp0, $3  }
0x28f: {  	_ = 	snop  }
0x290: {  	v4 =	vadd.f32 v5, v4;
	_ =	sdelay $0x1  }
0x291: {  	v4 =	vadd.f32 v12, v4  }
0x292: {  	_ = 	snop  }
0x293: {  	v3 =	vadd.f32 v3, v4;
	_ =	sdelay $0x1  }
0x294: {  	v0 =	vadd.f32 v0, v3;
	_ =	sdelay $0x1  }
0x295: {  	v0 =	vadd.f32 v1, v0;
	_ =	sdelay $0x1  }
0x296: {  	s19 =	sadd.s32 $0x1, s19;
	v0 =	vadd.f32 v2, v0  }
0x297: {  	p0 =	sne.s32 s19, s6  }
.Ltmp1:
0x298: {  	[tilespmem:s21+$0x142F0] =	vst v0;
	(pc) =	sbr.rel @p0 .LBB2_1-.Ltmp1, $4  }
0x299: {  	[hbm4b:s5+s2] =	stream.linear.scatter [tilespmem:s18], [sflag:$0x2], $0x1000, $0x38;
	[tilespmem:$0x15280] =	vst v63  }
0x29a: {  	_ =	swait.ge [sflag:s7], $0x1000  }
0x29b: {  	[sflag:s7] =	ssyncset.done $0x0  }
0x29c: {  	[sflag:s7] =	ssyncadd.s32 $0xFFFFF000  }
0x29d: {  	_ =	sfence.sel $0x180000  }
0x29e: {  	[bflag:$0x0] =	sbarrier.arrive $0xFFFF  }
0x29f: {  	p0 =	sne.s32 s0, $0x0;
	_ =	strace $0x90000047  }
0x2a0: {  	s0 =	sadd.s32 @!p0 $0x100000, s1;
	[bflag:$0x2] =	sbarrier.arrive $0xFFFF  }
0x2a1: {  	[sflag:s0] =	ssyncadd.tile.s32 @!p0 $0x1;
	_ =	shalt  }
.Lfunc_end2:
_tile_overlayer_lowered:
.L_overlay_start_2:
0x2a2: {  	(tag) =	ssettag $0x2  }
0x2a3: {  	s0 =	rddreg [dreg:$0x0];
	s2 =	stileid.u32  }
0x2a4: {  	s1 =	rddreg [dreg:$0x1];
	p0 =	sne.s32 s2, $0x0  }
0x2a5: {  	s3 =	rddreg [dreg:$0x2];
	[bflag:$0x3] =	sbarrier.arrive $0xFFFF;
	s2 =	simm.s32 @!p0 $0x1C02  }
0x2a6: {  	[timem:s3], [sflag:s2] =	dma.local @!p0 [hbm:s0], s1  }
0x2a7: {  	s0 =	simm.s32 @!p0 $0x2  }
0x2a8: {  	_ =	swait.ge @!p0 [sflag:s0], s1  }
0x2a9: {  	s1 =	ssub.s32 @!p0 $0x0, s1;
	[sflag:s0] =	ssyncset.done @!p0 $0x0  }
0x2aa: {  	[sflag:s0] =	ssyncadd.s32 @!p0 s1  }
0x2ab: {  	[bflag:$0x3] =	sbarrier.arrive $0xFFFF  }
0x2ac: {  	_ =	shalt  }

</sc_bundles>
